<compile_context>
chip_gen: v7x
topology: tpu7x:2x2x1
jax: 0.10.2.dev20260603
libtpu: 0.0.44.dev20260713+nightly
codegen_flags: <defaults>
</compile_context>

<pallas_src>
import functools

import jax
import jax.numpy as jnp
from jax import lax
from jax.experimental import pallas as pl
from jax.experimental.pallas import tpu as pltpu
from jax.experimental.pallas import tpu_sc as plsc

_HIDDEN = 1024
_BATCH = 4
_SEQ = 8192
_B = _BATCH * _SEQ

_NC, _NS = 2, 16
_NW = _NC * _NS
_BPW = _B // _NW
_VL = 16
_GW = 8
_GSH = 3
_NG = _BPW // _GW


@jax.jit
def _seg_embed(ids_flat, table):
    mesh = plsc.VectorSubcoreMesh(core_axis_name="c", subcore_axis_name="s")

    @functools.partial(
        pl.kernel,
        out_type=jax.ShapeDtypeStruct((_B, _HIDDEN), jnp.float32),
        mesh=mesh,
        compiler_params=pltpu.CompilerParams(needs_layout_passes=False),
        scratch_types=[
            pltpu.VMEM((_BPW,), jnp.int32),
            pltpu.VMEM((2, _HIDDEN), jnp.float32),
            pltpu.VMEM((_GW, _HIDDEN), jnp.float32),
            pltpu.VMEM((_GW, _HIDDEN), jnp.float32),
            pltpu.VMEM(((_NG + 1) * _GW,), jnp.int32),
            pltpu.VMEM(((_NG + 1) * _GW,), jnp.int32),
            pltpu.SemaphoreType.DMA,
            pltpu.SemaphoreType.DMA,
        ],
    )
    def k(ids_hbm, table_hbm, out_hbm, idx_v, tbl, rep0, rep1,
          pos0b, pos1b, semw, semin):
        s = lax.axis_index("s")
        c_ax = lax.axis_index("c")
        wid = s * _NC + c_ax
        base = wid * _BPW

        ids_cp = pltpu.make_async_copy(
            ids_hbm.at[pl.ds(base, _BPW)], idx_v, semin)
        ids_cp.start()
        pltpu.sync_copy(table_hbm, tbl)

        lanes = jax.lax.iota(jnp.int32, _VL)

        @pl.loop(0, _GW)
        def _(r):
            for j in range(_HIDDEN // _VL):
                sl = pl.ds(j * _VL, _VL)
                rep0[r, sl] = tbl[0, sl]
                rep1[r, sl] = tbl[1, sl]

        ids_cp.wait()

        def lane_gather(v, idx):
            return jax.lax.gather(
                v, idx[:, None],
                jax.lax.GatherDimensionNumbers(
                    offset_dims=(), collapsed_slice_dims=(0,),
                    start_index_map=(0,)),
                slice_sizes=(1,),
                mode=jax.lax.GatherScatterMode.PROMISE_IN_BOUNDS)

        def lane_cumsum(x):
            r = x
            for k in (1, 2, 4, 8):
                shifted = lane_gather(r, jnp.maximum(lanes - k, 0))
                r = r + jnp.where(lanes >= k, shifted, 0)
            return r

        def scalar(v):
            return jax.lax.squeeze(jax.lax.slice(v, (0,), (1,)), (0,))

        last = jnp.full((_VL,), _VL - 1, dtype=jnp.int32)
        zero_v = jnp.zeros((_VL,), jnp.int32)

        @pl.loop(0, _BPW // _VL, init_carry=(zero_v, zero_v))
        def _(i, carry):
            c0v, c1v = carry
            v = idx_v[pl.ds(i * _VL, _VL)]
            posv = (base + i * _VL) + lanes
            m0 = v == 0
            cs0 = lane_cumsum(jnp.where(m0, 1, 0).astype(jnp.int32))
            cs1 = (lanes + 1) - cs0
            r0 = c0v + cs0 - 1
            r1 = c1v + cs1 - 1
            plsc.store_scatter(pos0b, [r0], posv, mask=m0)
            plsc.store_scatter(pos1b, [r1], posv,
                               mask=jnp.logical_not(m0))
            n0v = c0v + lane_gather(cs0, last)
            n1v = c1v + lane_gather(cs1, last)

            @pl.loop(scalar(c0v) >> _GSH, scalar(n0v) >> _GSH)
            def _(g):
                pltpu.async_copy(
                    rep0, out_hbm.at[pos0b.at[pl.ds(g * _GW, _GW)]], semw)

            @pl.loop(scalar(c1v) >> _GSH, scalar(n1v) >> _GSH)
            def _(g):
                pltpu.async_copy(
                    rep1, out_hbm.at[pos1b.at[pl.ds(g * _GW, _GW)]], semw)

            return (n0v, n1v)

        c0v, c1v = _
        c0 = scalar(c0v)
        c1 = scalar(c1v)

        def pad(pos_ref, cnt):
            grp_base = jnp.full((_VL,), (cnt >> _GSH) << _GSH,
                                dtype=jnp.int32)
            first = plsc.load_gather(pos_ref, [grp_base])
            rem = cnt & (_GW - 1)
            for h in range(max(1, _GW // _VL)):
                col = lanes + h * _VL
                plsc.store_scatter(
                    pos_ref, [grp_base + col], first,
                    mask=jnp.logical_and(col >= rem, col < _GW))

        pad(pos0b, c0)
        pad(pos1b, c1)

        n0 = (c0 + _GW - 1) >> _GSH
        n1 = (c1 + _GW - 1) >> _GSH

        @pl.loop(c0 >> _GSH, n0)
        def _(g):
            pltpu.async_copy(
                rep0, out_hbm.at[pos0b.at[pl.ds(g * _GW, _GW)]], semw)

        @pl.loop(c1 >> _GSH, n1)
        def _(g):
            pltpu.async_copy(
                rep1, out_hbm.at[pos1b.at[pl.ds(g * _GW, _GW)]], semw)

        @pl.loop(0, n0 + n1)
        def _(g):
            pltpu.make_async_copy(
                rep0, out_hbm.at[pos0b.at[pl.ds(0, _GW)]], semw).wait()

    return k(ids_flat, table)


def kernel(segment_ids, table):
    ids_flat = segment_ids.reshape(-1).astype(jnp.int32)
    out = _seg_embed(ids_flat, table)
    return out.reshape(_BATCH, _SEQ, _HIDDEN)

# --- scband reference (transcript-rebuilt; emitter-appended) ---
"""Pipeline reference for scband-segment-embedding-32263794327906 (READ-ONLY COPY).

The authoritative reference and input builder live on the scoring server;
editing this copy changes nothing except your own understanding.
"""

import jax, jax.numpy as jnp
import numpy as np

NUM_SEGMENTS = 2
HIDDEN_SIZE = 1024
BATCH = 4
SEQ_LEN = 8192

def setup_inputs(seed: int = 0) -> dict:
    key = jax.random.key(seed)
    k_ids, k_tab = jax.random.split(key)
    segment_ids = jax.random.randint(k_ids, (BATCH, SEQ_LEN), 0, NUM_SEGMENTS, dtype=jnp.int64 if jax.config.jax_enable_x64 else jnp.int32)
    table = jax.random.normal(k_tab, (NUM_SEGMENTS, HIDDEN_SIZE), dtype=jnp.float32) * 0.1
    return {"segment_ids": segment_ids, "table": table}

def reference(segment_ids, table):
    # nn.Embedding lookup: gather rows of table by segment_ids
    embeddings = jnp.take(table, segment_ids, axis=0)
    # dropout p=0.0 -> identity in both train/eval
    return embeddings

if __name__ == "__main__":
    import jax
    _d = setup_inputs()
    print(jax.jit(kernel)(*tuple(_d.values())))

</pallas_src>

<mosaic_0001>
#map = affine_map<(d0, d1) -> (0)>
#map1 = affine_map<(d0, d1) -> (0, 0)>
module attributes {stable_mosaic.version = 14 : i64} {
  func.func @k(%arg0: i32, %arg1: i32, %arg2: memref<32768xi32, #tpu.memory_space<hbm>>, %arg3: memref<2x1024xf32, #tpu.memory_space<hbm>>, %arg4: memref<32768x1024xf32, #tpu.memory_space<hbm>>, %arg5: memref<1024xi32, #tpu.memory_space<vmem>>, %arg6: memref<2x1024xf32, #tpu.memory_space<vmem>>, %arg7: memref<8x1024xf32, #tpu.memory_space<vmem>>, %arg8: memref<8x1024xf32, #tpu.memory_space<vmem>>, %arg9: memref<1032xi32, #tpu.memory_space<vmem>>, %arg10: memref<1032xi32, #tpu.memory_space<vmem>>, %arg11: memref<!tpu.dma_semaphore, #tpu.memory_space<semaphore_mem>>, %arg12: memref<!tpu.dma_semaphore, #tpu.memory_space<semaphore_mem>>) attributes {dimension_semantics = [#tpu.dimension_semantics<core_parallel>, #tpu.dimension_semantics<subcore_parallel>], iteration_bounds = array<i64: 2, 16>, scalar_prefetch = 0 : i64, scratch_operands = 8 : i64, tpu.core_type = #tpu.core_type<sc_vector_subcore>, window_params = [{transform_indices = #map}, {transform_indices = #map1}, {transform_indices = #map1}]} {
    %mul3A = arith.constant 2 : i32
    %mul3A_0 = arith.muli %arg1, %mul3A : i32
    %add3A = arith.addi %mul3A_0, %arg0 : i32
    %mul3A_1 = arith.constant 1024 : i32
    %mul3A_2 = arith.muli %add3A, %mul3A_1 : i32
    %dma_start3A = tpu.memref_slice %arg2[%mul3A_2] : memref<32768xi32, #tpu.memory_space<hbm>> -> memref<1024xi32, #tpu.memory_space<hbm>>
    %dma_start3A_3 = tpu.memref_slice %arg2[%mul3A_2] : memref<32768xi32, #tpu.memory_space<hbm>> -> memref<1024xi32, #tpu.memory_space<hbm>>
    tpu.enqueue_dma source(%dma_start3A_3 : memref<1024xi32, #tpu.memory_space<hbm>>) target(%arg5 : memref<1024xi32, #tpu.memory_space<vmem>>) target_semaphore(%arg12 : memref<!tpu.dma_semaphore, #tpu.memory_space<semaphore_mem>>)
    "tpu.region"() ({
      %run_scoped3A = tpu.sem_alloc : memref<!tpu.dma_semaphore, #tpu.memory_space<semaphore_mem>>
      tpu.enqueue_dma source(%arg3 : memref<2x1024xf32, #tpu.memory_space<hbm>>) target(%arg6 : memref<2x1024xf32, #tpu.memory_space<vmem>>) target_semaphore(%run_scoped3A : memref<!tpu.dma_semaphore, #tpu.memory_space<semaphore_mem>>)
      tpu.wait_dma2 semaphore(%run_scoped3A : memref<!tpu.dma_semaphore, #tpu.memory_space<semaphore_mem>>) src(%arg3 : memref<2x1024xf32, #tpu.memory_space<hbm>>) dst(%arg6 : memref<2x1024xf32, #tpu.memory_space<vmem>>)
      tpu.yield
    }) : () -> ()
    %iota3A = tpu.iota {dimensions = array<i32: 0>} : vector<16xi32>
    %scan3A = arith.constant 0 : i32
    %scan3A_4 = arith.constant 8 : i32
    %scan3A_5 = arith.addi %scan3A, %scan3A_4 : i32
    %scan3A_6 = arith.constant 1 : i32
    scf.for %scan3A_117 = %scan3A to %scan3A_5 step %scan3A_6  : i32 {
      %mul3A_118 = arith.constant 1 : i32
      %mul3A_119 = arith.muli %scan3A_117, %mul3A_118 : i32
      %add3A_120 = arith.constant 0 : i32
      %add3A_121 = arith.addi %add3A_120, %mul3A_119 : i32
      %get3A = arith.constant 0 : i32
      %get3A_122 = arith.index_cast %get3A : i32 to index
      %get3A_123 = arith.constant 0 : index
      %get3A_124 = tpu.vector_load %arg6[%get3A_122, %get3A_123] {strides = array<i32>} : memref<2x1024xf32, #tpu.memory_space<vmem>>, vector<16xf32>,
      %swap3A = arith.index_cast %add3A_121 : i32 to index
      %swap3A_125 = arith.constant 0 : index
      %swap3A_126 = tpu.vector_load %arg7[%swap3A, %swap3A_125] {strides = array<i32>} : memref<8x1024xf32, #tpu.memory_space<vmem>>, vector<16xf32>,
      tpu.vector_store %arg7[%swap3A, %swap3A_125], %get3A_124 {strides = array<i32>} : memref<8x1024xf32, #tpu.memory_space<vmem>>, vector<16xf32>,
      %get3A_127 = arith.constant 1 : i32
      %get3A_128 = arith.index_cast %get3A_127 : i32 to index
      %get3A_129 = arith.constant 0 : index
      %get3A_130 = tpu.vector_load %arg6[%get3A_128, %get3A_129] {strides = array<i32>} : memref<2x1024xf32, #tpu.memory_space<vmem>>, vector<16xf32>,
      %swap3A_131 = arith.index_cast %add3A_121 : i32 to index
      %swap3A_132 = arith.constant 0 : index
      %swap3A_133 = tpu.vector_load %arg8[%swap3A_131, %swap3A_132] {strides = array<i32>} : memref<8x1024xf32, #tpu.memory_space<vmem>>, vector<16xf32>,
      tpu.vector_store %arg8[%swap3A_131, %swap3A_132], %get3A_130 {strides = array<i32>} : memref<8x1024xf32, #tpu.memory_space<vmem>>, vector<16xf32>,
      %get3A_134 = arith.constant 0 : i32
      %get3A_135 = arith.index_cast %get3A_134 : i32 to index
      %get3A_136 = arith.constant 16 : index
      %get3A_137 = tpu.vector_load %arg6[%get3A_135, %get3A_136] {strides = array<i32>} : memref<2x1024xf32, #tpu.memory_space<vmem>>, vector<16xf32>,
      %swap3A_138 = arith.index_cast %add3A_121 : i32 to index
      %swap3A_139 = arith.constant 16 : index
      %swap3A_140 = tpu.vector_load %arg7[%swap3A_138, %swap3A_139] {strides = array<i32>} : memref<8x1024xf32, #tpu.memory_space<vmem>>, vector<16xf32>,
      tpu.vector_store %arg7[%swap3A_138, %swap3A_139], %get3A_137 {strides = array<i32>} : memref<8x1024xf32, #tpu.memory_space<vmem>>, vector<16xf32>,
      %get3A_141 = arith.constant 1 : i32
      %get3A_142 = arith.index_cast %get3A_141 : i32 to index
      %get3A_143 = arith.constant 16 : index
      %get3A_144 = tpu.vector_load %arg6[%get3A_142, %get3A_143] {strides = array<i32>} : memref<2x1024xf32, #tpu.memory_space<vmem>>, vector<16xf32>,
      %swap3A_145 = arith.index_cast %add3A_121 : i32 to index
      %swap3A_146 = arith.constant 16 : index
      %swap3A_147 = tpu.vector_load %arg8[%swap3A_145, %swap3A_146] {strides = array<i32>} : memref<8x1024xf32, #tpu.memory_space<vmem>>, vector<16xf32>,
      tpu.vector_store %arg8[%swap3A_145, %swap3A_146], %get3A_144 {strides = array<i32>} : memref<8x1024xf32, #tpu.memory_space<vmem>>, vector<16xf32>,
      %get3A_148 = arith.constant 0 : i32
      %get3A_149 = arith.index_cast %get3A_148 : i32 to index
      %get3A_150 = arith.constant 32 : index
      %get3A_151 = tpu.vector_load %arg6[%get3A_149, %get3A_150] {strides = array<i32>} : memref<2x1024xf32, #tpu.memory_space<vmem>>, vector<16xf32>,
      %swap3A_152 = arith.index_cast %add3A_121 : i32 to index
      %swap3A_153 = arith.constant 32 : index
      %swap3A_154 = tpu.vector_load %arg7[%swap3A_152, %swap3A_153] {strides = array<i32>} : memref<8x1024xf32, #tpu.memory_space<vmem>>, vector<16xf32>,
      tpu.vector_store %arg7[%swap3A_152, %swap3A_153], %get3A_151 {strides = array<i32>} : memref<8x1024xf32, #tpu.memory_space<vmem>>, vector<16xf32>,
      %get3A_155 = arith.constant 1 : i32
      %get3A_156 = arith.index_cast %get3A_155 : i32 to index
      %get3A_157 = arith.constant 32 : index
      %get3A_158 = tpu.vector_load %arg6[%get3A_156, %get3A_157] {strides = array<i32>} : memref<2x1024xf32, #tpu.memory_space<vmem>>, vector<16xf32>,
      %swap3A_159 = arith.index_cast %add3A_121 : i32 to index
      %swap3A_160 = arith.constant 32 : index
      %swap3A_161 = tpu.vector_load %arg8[%swap3A_159, %swap3A_160] {strides = array<i32>} : memref<8x1024xf32, #tpu.memory_space<vmem>>, vector<16xf32>,
      tpu.vector_store %arg8[%swap3A_159, %swap3A_160], %get3A_158 {strides = array<i32>} : memref<8x1024xf32, #tpu.memory_space<vmem>>, vector<16xf32>,
      %get3A_162 = arith.constant 0 : i32
      %get3A_163 = arith.index_cast %get3A_162 : i32 to index
      %get3A_164 = arith.constant 48 : index
      %get3A_165 = tpu.vector_load %arg6[%get3A_163, %get3A_164] {strides = array<i32>} : memref<2x1024xf32, #tpu.memory_space<vmem>>, vector<16xf32>,
      %swap3A_166 = arith.index_cast %add3A_121 : i32 to index
      %swap3A_167 = arith.constant 48 : index
      %swap3A_168 = tpu.vector_load %arg7[%swap3A_166, %swap3A_167] {strides = array<i32>} : memref<8x1024xf32, #tpu.memory_space<vmem>>, vector<16xf32>,
      tpu.vector_store %arg7[%swap3A_166, %swap3A_167], %get3A_165 {strides = array<i32>} : memref<8x1024xf32, #tpu.memory_space<vmem>>, vector<16xf32>,
      %get3A_169 = arith.constant 1 : i32
      %get3A_170 = arith.index_cast %get3A_169 : i32 to index
      %get3A_171 = arith.constant 48 : index
      %get3A_172 = tpu.vector_load %arg6[%get3A_170, %get3A_171] {strides = array<i32>} : memref<2x1024xf32, #tpu.memory_space<vmem>>, vector<16xf32>,
      %swap3A_173 = arith.index_cast %add3A_121 : i32 to index
      %swap3A_174 = arith.constant 48 : index
      %swap3A_175 = tpu.vector_load %arg8[%swap3A_173, %swap3A_174] {strides = array<i32>} : memref<8x1024xf32, #tpu.memory_space<vmem>>, vector<16xf32>,
      tpu.vector_store %arg8[%swap3A_173, %swap3A_174], %get3A_172 {strides = array<i32>} : memref<8x1024xf32, #tpu.memory_space<vmem>>, vector<16xf32>,
      %get3A_176 = arith.constant 0 : i32
      %get3A_177 = arith.index_cast %get3A_176 : i32 to index
      %get3A_178 = arith.constant 64 : index
      %get3A_179 = tpu.vector_load %arg6[%get3A_177, %get3A_178] {strides = array<i32>} : memref<2x1024xf32, #tpu.memory_space<vmem>>, vector<16xf32>,
      %swap3A_180 = arith.index_cast %add3A_121 : i32 to index
      %swap3A_181 = arith.constant 64 : index
      %swap3A_182 = tpu.vector_load %arg7[%swap3A_180, %swap3A_181] {strides = array<i32>} : memref<8x1024xf32, #tpu.memory_space<vmem>>, vector<16xf32>,
      tpu.vector_store %arg7[%swap3A_180, %swap3A_181], %get3A_179 {strides = array<i32>} : memref<8x1024xf32, #tpu.memory_space<vmem>>, vector<16xf32>,
      %get3A_183 = arith.constant 1 : i32
      %get3A_184 = arith.index_cast %get3A_183 : i32 to index
      %get3A_185 = arith.constant 64 : index
      %get3A_186 = tpu.vector_load %arg6[%get3A_184, %get3A_185] {strides = array<i32>} : memref<2x1024xf32, #tpu.memory_space<vmem>>, vector<16xf32>,
      %swap3A_187 = arith.index_cast %add3A_121 : i32 to index
      %swap3A_188 = arith.constant 64 : index
      %swap3A_189 = tpu.vector_load %arg8[%swap3A_187, %swap3A_188] {strides = array<i32>} : memref<8x1024xf32, #tpu.memory_space<vmem>>, vector<16xf32>,
      tpu.vector_store %arg8[%swap3A_187, %swap3A_188], %get3A_186 {strides = array<i32>} : memref<8x1024xf32, #tpu.memory_space<vmem>>, vector<16xf32>,
      %get3A_190 = arith.constant 0 : i32
      %get3A_191 = arith.index_cast %get3A_190 : i32 to index
      %get3A_192 = arith.constant 80 : index
      %get3A_193 = tpu.vector_load %arg6[%get3A_191, %get3A_192] {strides = array<i32>} : memref<2x1024xf32, #tpu.memory_space<vmem>>, vector<16xf32>,
      %swap3A_194 = arith.index_cast %add3A_121 : i32 to index
      %swap3A_195 = arith.constant 80 : index
      %swap3A_196 = tpu.vector_load %arg7[%swap3A_194, %swap3A_195] {strides = array<i32>} : memref<8x1024xf32, #tpu.memory_space<vmem>>, vector<16xf32>,
      tpu.vector_store %arg7[%swap3A_194, %swap3A_195], %get3A_193 {strides = array<i32>} : memref<8x1024xf32, #tpu.memory_space<vmem>>, vector<16xf32>,
      %get3A_197 = arith.constant 1 : i32
      %get3A_198 = arith.index_cast %get3A_197 : i32 to index
      %get3A_199 = arith.constant 80 : index
      %get3A_200 = tpu.vector_load %arg6[%get3A_198, %get3A_199] {strides = array<i32>} : memref<2x1024xf32, #tpu.memory_space<vmem>>, vector<16xf32>,
      %swap3A_201 = arith.index_cast %add3A_121 : i32 to index
      %swap3A_202 = arith.constant 80 : index
      %swap3A_203 = tpu.vector_load %arg8[%swap3A_201, %swap3A_202] {strides = array<i32>} : memref<8x1024xf32, #tpu.memory_space<vmem>>, vector<16xf32>,
      tpu.vector_store %arg8[%swap3A_201, %swap3A_202], %get3A_200 {strides = array<i32>} : memref<8x1024xf32, #tpu.memory_space<vmem>>, vector<16xf32>,
      %get3A_204 = arith.constant 0 : i32
      %get3A_205 = arith.index_cast %get3A_204 : i32 to index
      %get3A_206 = arith.constant 96 : index
      %get3A_207 = tpu.vector_load %arg6[%get3A_205, %get3A_206] {strides = array<i32>} : memref<2x1024xf32, #tpu.memory_space<vmem>>, vector<16xf32>,
      %swap3A_208 = arith.index_cast %add3A_121 : i32 to index
      %swap3A_209 = arith.constant 96 : index
      %swap3A_210 = tpu.vector_load %arg7[%swap3A_208, %swap3A_209] {strides = array<i32>} : memref<8x1024xf32, #tpu.memory_space<vmem>>, vector<16xf32>,
      tpu.vector_store %arg7[%swap3A_208, %swap3A_209], %get3A_207 {strides = array<i32>} : memref<8x1024xf32, #tpu.memory_space<vmem>>, vector<16xf32>,
      %get3A_211 = arith.constant 1 : i32
      %get3A_212 = arith.index_cast %get3A_211 : i32 to index
      %get3A_213 = arith.constant 96 : index
      %get3A_214 = tpu.vector_load %arg6[%get3A_212, %get3A_213] {strides = array<i32>} : memref<2x1024xf32, #tpu.memory_space<vmem>>, vector<16xf32>,
      %swap3A_215 = arith.index_cast %add3A_121 : i32 to index
      %swap3A_216 = arith.constant 96 : index
      %swap3A_217 = tpu.vector_load %arg8[%swap3A_215, %swap3A_216] {strides = array<i32>} : memref<8x1024xf32, #tpu.memory_space<vmem>>, vector<16xf32>,
      tpu.vector_store %arg8[%swap3A_215, %swap3A_216], %get3A_214 {strides = array<i32>} : memref<8x1024xf32, #tpu.memory_space<vmem>>, vector<16xf32>,
      %get3A_218 = arith.constant 0 : i32
      %get3A_219 = arith.index_cast %get3A_218 : i32 to index
      %get3A_220 = arith.constant 112 : index
      %get3A_221 = tpu.vector_load %arg6[%get3A_219, %get3A_220] {strides = array<i32>} : memref<2x1024xf32, #tpu.memory_space<vmem>>, vector<16xf32>,
      %swap3A_222 = arith.index_cast %add3A_121 : i32 to index
      %swap3A_223 = arith.constant 112 : index
      %swap3A_224 = tpu.vector_load %arg7[%swap3A_222, %swap3A_223] {strides = array<i32>} : memref<8x1024xf32, #tpu.memory_space<vmem>>, vector<16xf32>,
      tpu.vector_store %arg7[%swap3A_222, %swap3A_223], %get3A_221 {strides = array<i32>} : memref<8x1024xf32, #tpu.memory_space<vmem>>, vector<16xf32>,
      %get3A_225 = arith.constant 1 : i32
      %get3A_226 = arith.index_cast %get3A_225 : i32 to index
      %get3A_227 = arith.constant 112 : index
      %get3A_228 = tpu.vector_load %arg6[%get3A_226, %get3A_227] {strides = array<i32>} : memref<2x1024xf32, #tpu.memory_space<vmem>>, vector<16xf32>,
      %swap3A_229 = arith.index_cast %add3A_121 : i32 to index
      %swap3A_230 = arith.constant 112 : index
      %swap3A_231 = tpu.vector_load %arg8[%swap3A_229, %swap3A_230] {strides = array<i32>} : memref<8x1024xf32, #tpu.memory_space<vmem>>, vector<16xf32>,
      tpu.vector_store %arg8[%swap3A_229, %swap3A_230], %get3A_228 {strides = array<i32>} : memref<8x1024xf32, #tpu.memory_space<vmem>>, vector<16xf32>,
      %get3A_232 = arith.constant 0 : i32
      %get3A_233 = arith.index_cast %get3A_232 : i32 to index
      %get3A_234 = arith.constant 128 : index
      %get3A_235 = tpu.vector_load %arg6[%get3A_233, %get3A_234] {strides = array<i32>} : memref<2x1024xf32, #tpu.memory_space<vmem>>, vector<16xf32>,
      %swap3A_236 = arith.index_cast %add3A_121 : i32 to index
      %swap3A_237 = arith.constant 128 : index
      %swap3A_238 = tpu.vector_load %arg7[%swap3A_236, %swap3A_237] {strides = array<i32>} : memref<8x1024xf32, #tpu.memory_space<vmem>>, vector<16xf32>,
      tpu.vector_store %arg7[%swap3A_236, %swap3A_237], %get3A_235 {strides = array<i32>} : memref<8x1024xf32, #tpu.memory_space<vmem>>, vector<16xf32>,
      %get3A_239 = arith.constant 1 : i32
      %get3A_240 = arith.index_cast %get3A_239 : i32 to index
      %get3A_241 = arith.constant 128 : index
      %get3A_242 = tpu.vector_load %arg6[%get3A_240, %get3A_241] {strides = array<i32>} : memref<2x1024xf32, #tpu.memory_space<vmem>>, vector<16xf32>,
      %swap3A_243 = arith.index_cast %add3A_121 : i32 to index
      %swap3A_244 = arith.constant 128 : index
      %swap3A_245 = tpu.vector_load %arg8[%swap3A_243, %swap3A_244] {strides = array<i32>} : memref<8x1024xf32, #tpu.memory_space<vmem>>, vector<16xf32>,
      tpu.vector_store %arg8[%swap3A_243, %swap3A_244], %get3A_242 {strides = array<i32>} : memref<8x1024xf32, #tpu.memory_space<vmem>>, vector<16xf32>,
      %get3A_246 = arith.constant 0 : i32
      %get3A_247 = arith.index_cast %get3A_246 : i32 to index
      %get3A_248 = arith.constant 144 : index
      %get3A_249 = tpu.vector_load %arg6[%get3A_247, %get3A_248] {strides = array<i32>} : memref<2x1024xf32, #tpu.memory_space<vmem>>, vector<16xf32>,
      %swap3A_250 = arith.index_cast %add3A_121 : i32 to index
      %swap3A_251 = arith.constant 144 : index
      %swap3A_252 = tpu.vector_load %arg7[%swap3A_250, %swap3A_251] {strides = array<i32>} : memref<8x1024xf32, #tpu.memory_space<vmem>>, vector<16xf32>,
      tpu.vector_store %arg7[%swap3A_250, %swap3A_251], %get3A_249 {strides = array<i32>} : memref<8x1024xf32, #tpu.memory_space<vmem>>, vector<16xf32>,
      %get3A_253 = arith.constant 1 : i32
      %get3A_254 = arith.index_cast %get3A_253 : i32 to index
      %get3A_255 = arith.constant 144 : index
      %get3A_256 = tpu.vector_load %arg6[%get3A_254, %get3A_255] {strides = array<i32>} : memref<2x1024xf32, #tpu.memory_space<vmem>>, vector<16xf32>,
      %swap3A_257 = arith.index_cast %add3A_121 : i32 to index
      %swap3A_258 = arith.constant 144 : index
      %swap3A_259 = tpu.vector_load %arg8[%swap3A_257, %swap3A_258] {strides = array<i32>} : memref<8x1024xf32, #tpu.memory_space<vmem>>, vector<16xf32>,
      tpu.vector_store %arg8[%swap3A_257, %swap3A_258], %get3A_256 {strides = array<i32>} : memref<8x1024xf32, #tpu.memory_space<vmem>>, vector<16xf32>,
      %get3A_260 = arith.constant 0 : i32
      %get3A_261 = arith.index_cast %get3A_260 : i32 to index
      %get3A_262 = arith.constant 160 : index
      %get3A_263 = tpu.vector_load %arg6[%get3A_261, %get3A_262] {strides = array<i32>} : memref<2x1024xf32, #tpu.memory_space<vmem>>, vector<16xf32>,
      %swap3A_264 = arith.index_cast %add3A_121 : i32 to index
      %swap3A_265 = arith.constant 160 : index
      %swap3A_266 = tpu.vector_load %arg7[%swap3A_264, %swap3A_265] {strides = array<i32>} : memref<8x1024xf32, #tpu.memory_space<vmem>>, vector<16xf32>,
      tpu.vector_store %arg7[%swap3A_264, %swap3A_265], %get3A_263 {strides = array<i32>} : memref<8x1024xf32, #tpu.memory_space<vmem>>, vector<16xf32>,
      %get3A_267 = arith.constant 1 : i32
      %get3A_268 = arith.index_cast %get3A_267 : i32 to index
      %get3A_269 = arith.constant 160 : index
      %get3A_270 = tpu.vector_load %arg6[%get3A_268, %get3A_269] {strides = array<i32>} : memref<2x1024xf32, #tpu.memory_space<vmem>>, vector<16xf32>,
      %swap3A_271 = arith.index_cast %add3A_121 : i32 to index
      %swap3A_272 = arith.constant 160 : index
      %swap3A_273 = tpu.vector_load %arg8[%swap3A_271, %swap3A_272] {strides = array<i32>} : memref<8x1024xf32, #tpu.memory_space<vmem>>, vector<16xf32>,
      tpu.vector_store %arg8[%swap3A_271, %swap3A_272], %get3A_270 {strides = array<i32>} : memref<8x1024xf32, #tpu.memory_space<vmem>>, vector<16xf32>,
      %get3A_274 = arith.constant 0 : i32
      %get3A_275 = arith.index_cast %get3A_274 : i32 to index
      %get3A_276 = arith.constant 176 : index
      %get3A_277 = tpu.vector_load %arg6[%get3A_275, %get3A_276] {strides = array<i32>} : memref<2x1024xf32, #tpu.memory_space<vmem>>, vector<16xf32>,
      %swap3A_278 = arith.index_cast %add3A_121 : i32 to index
      %swap3A_279 = arith.constant 176 : index
      %swap3A_280 = tpu.vector_load %arg7[%swap3A_278, %swap3A_279] {strides = array<i32>} : memref<8x1024xf32, #tpu.memory_space<vmem>>, vector<16xf32>,
      tpu.vector_store %arg7[%swap3A_278, %swap3A_279], %get3A_277 {strides = array<i32>} : memref<8x1024xf32, #tpu.memory_space<vmem>>, vector<16xf32>,
      %get3A_281 = arith.constant 1 : i32
      %get3A_282 = arith.index_cast %get3A_281 : i32 to index
      %get3A_283 = arith.constant 176 : index
      %get3A_284 = tpu.vector_load %arg6[%get3A_282, %get3A_283] {strides = array<i32>} : memref<2x1024xf32, #tpu.memory_space<vmem>>, vector<16xf32>,
      %swap3A_285 = arith.index_cast %add3A_121 : i32 to index
      %swap3A_286 = arith.constant 176 : index
      %swap3A_287 = tpu.vector_load %arg8[%swap3A_285, %swap3A_286] {strides = array<i32>} : memref<8x1024xf32, #tpu.memory_space<vmem>>, vector<16xf32>,
      tpu.vector_store %arg8[%swap3A_285, %swap3A_286], %get3A_284 {strides = array<i32>} : memref<8x1024xf32, #tpu.memory_space<vmem>>, vector<16xf32>,
      %get3A_288 = arith.constant 0 : i32
      %get3A_289 = arith.index_cast %get3A_288 : i32 to index
      %get3A_290 = arith.constant 192 : index
      %get3A_291 = tpu.vector_load %arg6[%get3A_289, %get3A_290] {strides = array<i32>} : memref<2x1024xf32, #tpu.memory_space<vmem>>, vector<16xf32>,
      %swap3A_292 = arith.index_cast %add3A_121 : i32 to index
      %swap3A_293 = arith.constant 192 : index
      %swap3A_294 = tpu.vector_load %arg7[%swap3A_292, %swap3A_293] {strides = array<i32>} : memref<8x1024xf32, #tpu.memory_space<vmem>>, vector<16xf32>,
      tpu.vector_store %arg7[%swap3A_292, %swap3A_293], %get3A_291 {strides = array<i32>} : memref<8x1024xf32, #tpu.memory_space<vmem>>, vector<16xf32>,
      %get3A_295 = arith.constant 1 : i32
      %get3A_296 = arith.index_cast %get3A_295 : i32 to index
      %get3A_297 = arith.constant 192 : index
      %get3A_298 = tpu.vector_load %arg6[%get3A_296, %get3A_297] {strides = array<i32>} : memref<2x1024xf32, #tpu.memory_space<vmem>>, vector<16xf32>,
      %swap3A_299 = arith.index_cast %add3A_121 : i32 to index
      %swap3A_300 = arith.constant 192 : index
      %swap3A_301 = tpu.vector_load %arg8[%swap3A_299, %swap3A_300] {strides = array<i32>} : memref<8x1024xf32, #tpu.memory_space<vmem>>, vector<16xf32>,
      tpu.vector_store %arg8[%swap3A_299, %swap3A_300], %get3A_298 {strides = array<i32>} : memref<8x1024xf32, #tpu.memory_space<vmem>>, vector<16xf32>,
      %get3A_302 = arith.constant 0 : i32
      %get3A_303 = arith.index_cast %get3A_302 : i32 to index
      %get3A_304 = arith.constant 208 : index
      %get3A_305 = tpu.vector_load %arg6[%get3A_303, %get3A_304] {strides = array<i32>} : memref<2x1024xf32, #tpu.memory_space<vmem>>, vector<16xf32>,
      %swap3A_306 = arith.index_cast %add3A_121 : i32 to index
      %swap3A_307 = arith.constant 208 : index
      %swap3A_308 = tpu.vector_load %arg7[%swap3A_306, %swap3A_307] {strides = array<i32>} : memref<8x1024xf32, #tpu.memory_space<vmem>>, vector<16xf32>,
      tpu.vector_store %arg7[%swap3A_306, %swap3A_307], %get3A_305 {strides = array<i32>} : memref<8x1024xf32, #tpu.memory_space<vmem>>, vector<16xf32>,
      %get3A_309 = arith.constant 1 : i32
      %get3A_310 = arith.index_cast %get3A_309 : i32 to index
      %get3A_311 = arith.constant 208 : index
      %get3A_312 = tpu.vector_load %arg6[%get3A_310, %get3A_311] {strides = array<i32>} : memref<2x1024xf32, #tpu.memory_space<vmem>>, vector<16xf32>,
      %swap3A_313 = arith.index_cast %add3A_121 : i32 to index
      %swap3A_314 = arith.constant 208 : index
      %swap3A_315 = tpu.vector_load %arg8[%swap3A_313, %swap3A_314] {strides = array<i32>} : memref<8x1024xf32, #tpu.memory_space<vmem>>, vector<16xf32>,
      tpu.vector_store %arg8[%swap3A_313, %swap3A_314], %get3A_312 {strides = array<i32>} : memref<8x1024xf32, #tpu.memory_space<vmem>>, vector<16xf32>,
      %get3A_316 = arith.constant 0 : i32
      %get3A_317 = arith.index_cast %get3A_316 : i32 to index
      %get3A_318 = arith.constant 224 : index
      %get3A_319 = tpu.vector_load %arg6[%get3A_317, %get3A_318] {strides = array<i32>} : memref<2x1024xf32, #tpu.memory_space<vmem>>, vector<16xf32>,
      %swap3A_320 = arith.index_cast %add3A_121 : i32 to index
      %swap3A_321 = arith.constant 224 : index
      %swap3A_322 = tpu.vector_load %arg7[%swap3A_320, %swap3A_321] {strides = array<i32>} : memref<8x1024xf32, #tpu.memory_space<vmem>>, vector<16xf32>,
      tpu.vector_store %arg7[%swap3A_320, %swap3A_321], %get3A_319 {strides = array<i32>} : memref<8x1024xf32, #tpu.memory_space<vmem>>, vector<16xf32>,
      %get3A_323 = arith.constant 1 : i32
      %get3A_324 = arith.index_cast %get3A_323 : i32 to index
      %get3A_325 = arith.constant 224 : index
      %get3A_326 = tpu.vector_load %arg6[%get3A_324, %get3A_325] {strides = array<i32>} : memref<2x1024xf32, #tpu.memory_space<vmem>>, vector<16xf32>,
      %swap3A_327 = arith.index_cast %add3A_121 : i32 to index
      %swap3A_328 = arith.constant 224 : index
      %swap3A_329 = tpu.vector_load %arg8[%swap3A_327, %swap3A_328] {strides = array<i32>} : memref<8x1024xf32, #tpu.memory_space<vmem>>, vector<16xf32>,
      tpu.vector_store %arg8[%swap3A_327, %swap3A_328], %get3A_326 {strides = array<i32>} : memref<8x1024xf32, #tpu.memory_space<vmem>>, vector<16xf32>,
      %get3A_330 = arith.constant 0 : i32
      %get3A_331 = arith.index_cast %get3A_330 : i32 to index
      %get3A_332 = arith.constant 240 : index
      %get3A_333 = tpu.vector_load %arg6[%get3A_331, %get3A_332] {strides = array<i32>} : memref<2x1024xf32, #tpu.memory_space<vmem>>, vector<16xf32>,
      %swap3A_334 = arith.index_cast %add3A_121 : i32 to index
      %swap3A_335 = arith.constant 240 : index
      %swap3A_336 = tpu.vector_load %arg7[%swap3A_334, %swap3A_335] {strides = array<i32>} : memref<8x1024xf32, #tpu.memory_space<vmem>>, vector<16xf32>,
      tpu.vector_store %arg7[%swap3A_334, %swap3A_335], %get3A_333 {strides = array<i32>} : memref<8x1024xf32, #tpu.memory_space<vmem>>, vector<16xf32>,
      %get3A_337 = arith.constant 1 : i32
      %get3A_338 = arith.index_cast %get3A_337 : i32 to index
      %get3A_339 = arith.constant 240 : index
      %get3A_340 = tpu.vector_load %arg6[%get3A_338, %get3A_339] {strides = array<i32>} : memref<2x1024xf32, #tpu.memory_space<vmem>>, vector<16xf32>,
      %swap3A_341 = arith.index_cast %add3A_121 : i32 to index
      %swap3A_342 = arith.constant 240 : index
      %swap3A_343 = tpu.vector_load %arg8[%swap3A_341, %swap3A_342] {strides = array<i32>} : memref<8x1024xf32, #tpu.memory_space<vmem>>, vector<16xf32>,
      tpu.vector_store %arg8[%swap3A_341, %swap3A_342], %get3A_340 {strides = array<i32>} : memref<8x1024xf32, #tpu.memory_space<vmem>>, vector<16xf32>,
      %get3A_344 = arith.constant 0 : i32
      %get3A_345 = arith.index_cast %get3A_344 : i32 to index
      %get3A_346 = arith.constant 256 : index
      %get3A_347 = tpu.vector_load %arg6[%get3A_345, %get3A_346] {strides = array<i32>} : memref<2x1024xf32, #tpu.memory_space<vmem>>, vector<16xf32>,
      %swap3A_348 = arith.index_cast %add3A_121 : i32 to index
      %swap3A_349 = arith.constant 256 : index
      %swap3A_350 = tpu.vector_load %arg7[%swap3A_348, %swap3A_349] {strides = array<i32>} : memref<8x1024xf32, #tpu.memory_space<vmem>>, vector<16xf32>,
      tpu.vector_store %arg7[%swap3A_348, %swap3A_349], %get3A_347 {strides = array<i32>} : memref<8x1024xf32, #tpu.memory_space<vmem>>, vector<16xf32>,
      %get3A_351 = arith.constant 1 : i32
      %get3A_352 = arith.index_cast %get3A_351 : i32 to index
      %get3A_353 = arith.constant 256 : index
      %get3A_354 = tpu.vector_load %arg6[%get3A_352, %get3A_353] {strides = array<i32>} : memref<2x1024xf32, #tpu.memory_space<vmem>>, vector<16xf32>,
      %swap3A_355 = arith.index_cast %add3A_121 : i32 to index
      %swap3A_356 = arith.constant 256 : index
      %swap3A_357 = tpu.vector_load %arg8[%swap3A_355, %swap3A_356] {strides = array<i32>} : memref<8x1024xf32, #tpu.memory_space<vmem>>, vector<16xf32>,
      tpu.vector_store %arg8[%swap3A_355, %swap3A_356], %get3A_354 {strides = array<i32>} : memref<8x1024xf32, #tpu.memory_space<vmem>>, vector<16xf32>,
      %get3A_358 = arith.constant 0 : i32
      %get3A_359 = arith.index_cast %get3A_358 : i32 to index
      %get3A_360 = arith.constant 272 : index
      %get3A_361 = tpu.vector_load %arg6[%get3A_359, %get3A_360] {strides = array<i32>} : memref<2x1024xf32, #tpu.memory_space<vmem>>, vector<16xf32>,
      %swap3A_362 = arith.index_cast %add3A_121 : i32 to index
      %swap3A_363 = arith.constant 272 : index
      %swap3A_364 = tpu.vector_load %arg7[%swap3A_362, %swap3A_363] {strides = array<i32>} : memref<8x1024xf32, #tpu.memory_space<vmem>>, vector<16xf32>,
      tpu.vector_store %arg7[%swap3A_362, %swap3A_363], %get3A_361 {strides = array<i32>} : memref<8x1024xf32, #tpu.memory_space<vmem>>, vector<16xf32>,
      %get3A_365 = arith.constant 1 : i32
      %get3A_366 = arith.index_cast %get3A_365 : i32 to index
      %get3A_367 = arith.constant 272 : index
      %get3A_368 = tpu.vector_load %arg6[%get3A_366, %get3A_367] {strides = array<i32>} : memref<2x1024xf32, #tpu.memory_space<vmem>>, vector<16xf32>,
      %swap3A_369 = arith.index_cast %add3A_121 : i32 to index
      %swap3A_370 = arith.constant 272 : index
      %swap3A_371 = tpu.vector_load %arg8[%swap3A_369, %swap3A_370] {strides = array<i32>} : memref<8x1024xf32, #tpu.memory_space<vmem>>, vector<16xf32>,
      tpu.vector_store %arg8[%swap3A_369, %swap3A_370], %get3A_368 {strides = array<i32>} : memref<8x1024xf32, #tpu.memory_space<vmem>>, vector<16xf32>,
      %get3A_372 = arith.constant 0 : i32
      %get3A_373 = arith.index_cast %get3A_372 : i32 to index
      %get3A_374 = arith.constant 288 : index
      %get3A_375 = tpu.vector_load %arg6[%get3A_373, %get3A_374] {strides = array<i32>} : memref<2x1024xf32, #tpu.memory_space<vmem>>, vector<16xf32>,
      %swap3A_376 = arith.index_cast %add3A_121 : i32 to index
      %swap3A_377 = arith.constant 288 : index
      %swap3A_378 = tpu.vector_load %arg7[%swap3A_376, %swap3A_377] {strides = array<i32>} : memref<8x1024xf32, #tpu.memory_space<vmem>>, vector<16xf32>,
      tpu.vector_store %arg7[%swap3A_376, %swap3A_377], %get3A_375 {strides = array<i32>} : memref<8x1024xf32, #tpu.memory_space<vmem>>, vector<16xf32>,
      %get3A_379 = arith.constant 1 : i32
      %get3A_380 = arith.index_cast %get3A_379 : i32 to index
      %get3A_381 = arith.constant 288 : index
      %get3A_382 = tpu.vector_load %arg6[%get3A_380, %get3A_381] {strides = array<i32>} : memref<2x1024xf32, #tpu.memory_space<vmem>>, vector<16xf32>,
      %swap3A_383 = arith.index_cast %add3A_121 : i32 to index
      %swap3A_384 = arith.constant 288 : index
      %swap3A_385 = tpu.vector_load %arg8[%swap3A_383, %swap3A_384] {strides = array<i32>} : memref<8x1024xf32, #tpu.memory_space<vmem>>, vector<16xf32>,
      tpu.vector_store %arg8[%swap3A_383, %swap3A_384], %get3A_382 {strides = array<i32>} : memref<8x1024xf32, #tpu.memory_space<vmem>>, vector<16xf32>,
      %get3A_386 = arith.constant 0 : i32
      %get3A_387 = arith.index_cast %get3A_386 : i32 to index
      %get3A_388 = arith.constant 304 : index
      %get3A_389 = tpu.vector_load %arg6[%get3A_387, %get3A_388] {strides = array<i32>} : memref<2x1024xf32, #tpu.memory_space<vmem>>, vector<16xf32>,
      %swap3A_390 = arith.index_cast %add3A_121 : i32 to index
      %swap3A_391 = arith.constant 304 : index
      %swap3A_392 = tpu.vector_load %arg7[%swap3A_390, %swap3A_391] {strides = array<i32>} : memref<8x1024xf32, #tpu.memory_space<vmem>>, vector<16xf32>,
      tpu.vector_store %arg7[%swap3A_390, %swap3A_391], %get3A_389 {strides = array<i32>} : memref<8x1024xf32, #tpu.memory_space<vmem>>, vector<16xf32>,
      %get3A_393 = arith.constant 1 : i32
      %get3A_394 = arith.index_cast %get3A_393 : i32 to index
      %get3A_395 = arith.constant 304 : index
      %get3A_396 = tpu.vector_load %arg6[%get3A_394, %get3A_395] {strides = array<i32>} : memref<2x1024xf32, #tpu.memory_space<vmem>>, vector<16xf32>,
      %swap3A_397 = arith.index_cast %add3A_121 : i32 to index
      %swap3A_398 = arith.constant 304 : index
      %swap3A_399 = tpu.vector_load %arg8[%swap3A_397, %swap3A_398] {strides = array<i32>} : memref<8x1024xf32, #tpu.memory_space<vmem>>, vector<16xf32>,
      tpu.vector_store %arg8[%swap3A_397, %swap3A_398], %get3A_396 {strides = array<i32>} : memref<8x1024xf32, #tpu.memory_space<vmem>>, vector<16xf32>,
      %get3A_400 = arith.constant 0 : i32
      %get3A_401 = arith.index_cast %get3A_400 : i32 to index
      %get3A_402 = arith.constant 320 : index
      %get3A_403 = tpu.vector_load %arg6[%get3A_401, %get3A_402] {strides = array<i32>} : memref<2x1024xf32, #tpu.memory_space<vmem>>, vector<16xf32>,
      %swap3A_404 = arith.index_cast %add3A_121 : i32 to index
      %swap3A_405 = arith.constant 320 : index
      %swap3A_406 = tpu.vector_load %arg7[%swap3A_404, %swap3A_405] {strides = array<i32>} : memref<8x1024xf32, #tpu.memory_space<vmem>>, vector<16xf32>,
      tpu.vector_store %arg7[%swap3A_404, %swap3A_405], %get3A_403 {strides = array<i32>} : memref<8x1024xf32, #tpu.memory_space<vmem>>, vector<16xf32>,
      %get3A_407 = arith.constant 1 : i32
      %get3A_408 = arith.index_cast %get3A_407 : i32 to index
      %get3A_409 = arith.constant 320 : index
      %get3A_410 = tpu.vector_load %arg6[%get3A_408, %get3A_409] {strides = array<i32>} : memref<2x1024xf32, #tpu.memory_space<vmem>>, vector<16xf32>,
      %swap3A_411 = arith.index_cast %add3A_121 : i32 to index
      %swap3A_412 = arith.constant 320 : index
      %swap3A_413 = tpu.vector_load %arg8[%swap3A_411, %swap3A_412] {strides = array<i32>} : memref<8x1024xf32, #tpu.memory_space<vmem>>, vector<16xf32>,
      tpu.vector_store %arg8[%swap3A_411, %swap3A_412], %get3A_410 {strides = array<i32>} : memref<8x1024xf32, #tpu.memory_space<vmem>>, vector<16xf32>,
      %get3A_414 = arith.constant 0 : i32
      %get3A_415 = arith.index_cast %get3A_414 : i32 to index
      %get3A_416 = arith.constant 336 : index
      %get3A_417 = tpu.vector_load %arg6[%get3A_415, %get3A_416] {strides = array<i32>} : memref<2x1024xf32, #tpu.memory_space<vmem>>, vector<16xf32>,
      %swap3A_418 = arith.index_cast %add3A_121 : i32 to index
      %swap3A_419 = arith.constant 336 : index
      %swap3A_420 = tpu.vector_load %arg7[%swap3A_418, %swap3A_419] {strides = array<i32>} : memref<8x1024xf32, #tpu.memory_space<vmem>>, vector<16xf32>,
      tpu.vector_store %arg7[%swap3A_418, %swap3A_419], %get3A_417 {strides = array<i32>} : memref<8x1024xf32, #tpu.memory_space<vmem>>, vector<16xf32>,
      %get3A_421 = arith.constant 1 : i32
      %get3A_422 = arith.index_cast %get3A_421 : i32 to index
      %get3A_423 = arith.constant 336 : index
      %get3A_424 = tpu.vector_load %arg6[%get3A_422, %get3A_423] {strides = array<i32>} : memref<2x1024xf32, #tpu.memory_space<vmem>>, vector<16xf32>,
      %swap3A_425 = arith.index_cast %add3A_121 : i32 to index
      %swap3A_426 = arith.constant 336 : index
      %swap3A_427 = tpu.vector_load %arg8[%swap3A_425, %swap3A_426] {strides = array<i32>} : memref<8x1024xf32, #tpu.memory_space<vmem>>, vector<16xf32>,
      tpu.vector_store %arg8[%swap3A_425, %swap3A_426], %get3A_424 {strides = array<i32>} : memref<8x1024xf32, #tpu.memory_space<vmem>>, vector<16xf32>,
      %get3A_428 = arith.constant 0 : i32
      %get3A_429 = arith.index_cast %get3A_428 : i32 to index
      %get3A_430 = arith.constant 352 : index
      %get3A_431 = tpu.vector_load %arg6[%get3A_429, %get3A_430] {strides = array<i32>} : memref<2x1024xf32, #tpu.memory_space<vmem>>, vector<16xf32>,
      %swap3A_432 = arith.index_cast %add3A_121 : i32 to index
      %swap3A_433 = arith.constant 352 : index
      %swap3A_434 = tpu.vector_load %arg7[%swap3A_432, %swap3A_433] {strides = array<i32>} : memref<8x1024xf32, #tpu.memory_space<vmem>>, vector<16xf32>,
      tpu.vector_store %arg7[%swap3A_432, %swap3A_433], %get3A_431 {strides = array<i32>} : memref<8x1024xf32, #tpu.memory_space<vmem>>, vector<16xf32>,
      %get3A_435 = arith.constant 1 : i32
      %get3A_436 = arith.index_cast %get3A_435 : i32 to index
      %get3A_437 = arith.constant 352 : index
      %get3A_438 = tpu.vector_load %arg6[%get3A_436, %get3A_437] {strides = array<i32>} : memref<2x1024xf32, #tpu.memory_space<vmem>>, vector<16xf32>,
      %swap3A_439 = arith.index_cast %add3A_121 : i32 to index
      %swap3A_440 = arith.constant 352 : index
      %swap3A_441 = tpu.vector_load %arg8[%swap3A_439, %swap3A_440] {strides = array<i32>} : memref<8x1024xf32, #tpu.memory_space<vmem>>, vector<16xf32>,
      tpu.vector_store %arg8[%swap3A_439, %swap3A_440], %get3A_438 {strides = array<i32>} : memref<8x1024xf32, #tpu.memory_space<vmem>>, vector<16xf32>,
      %get3A_442 = arith.constant 0 : i32
      %get3A_443 = arith.index_cast %get3A_442 : i32 to index
      %get3A_444 = arith.constant 368 : index
      %get3A_445 = tpu.vector_load %arg6[%get3A_443, %get3A_444] {strides = array<i32>} : memref<2x1024xf32, #tpu.memory_space<vmem>>, vector<16xf32>,
      %swap3A_446 = arith.index_cast %add3A_121 : i32 to index
      %swap3A_447 = arith.constant 368 : index
      %swap3A_448 = tpu.vector_load %arg7[%swap3A_446, %swap3A_447] {strides = array<i32>} : memref<8x1024xf32, #tpu.memory_space<vmem>>, vector<16xf32>,
      tpu.vector_store %arg7[%swap3A_446, %swap3A_447], %get3A_445 {strides = array<i32>} : memref<8x1024xf32, #tpu.memory_space<vmem>>, vector<16xf32>,
      %get3A_449 = arith.constant 1 : i32
      %get3A_450 = arith.index_cast %get3A_449 : i32 to index
      %get3A_451 = arith.constant 368 : index
      %get3A_452 = tpu.vector_load %arg6[%get3A_450, %get3A_451] {strides = array<i32>} : memref<2x1024xf32, #tpu.memory_space<vmem>>, vector<16xf32>,
      %swap3A_453 = arith.index_cast %add3A_121 : i32 to index
      %swap3A_454 = arith.constant 368 : index
      %swap3A_455 = tpu.vector_load %arg8[%swap3A_453, %swap3A_454] {strides = array<i32>} : memref<8x1024xf32, #tpu.memory_space<vmem>>, vector<16xf32>,
      tpu.vector_store %arg8[%swap3A_453, %swap3A_454], %get3A_452 {strides = array<i32>} : memref<8x1024xf32, #tpu.memory_space<vmem>>, vector<16xf32>,
      %get3A_456 = arith.constant 0 : i32
      %get3A_457 = arith.index_cast %get3A_456 : i32 to index
      %get3A_458 = arith.constant 384 : index
      %get3A_459 = tpu.vector_load %arg6[%get3A_457, %get3A_458] {strides = array<i32>} : memref<2x1024xf32, #tpu.memory_space<vmem>>, vector<16xf32>,
      %swap3A_460 = arith.index_cast %add3A_121 : i32 to index
      %swap3A_461 = arith.constant 384 : index
      %swap3A_462 = tpu.vector_load %arg7[%swap3A_460, %swap3A_461] {strides = array<i32>} : memref<8x1024xf32, #tpu.memory_space<vmem>>, vector<16xf32>,
      tpu.vector_store %arg7[%swap3A_460, %swap3A_461], %get3A_459 {strides = array<i32>} : memref<8x1024xf32, #tpu.memory_space<vmem>>, vector<16xf32>,
      %get3A_463 = arith.constant 1 : i32
      %get3A_464 = arith.index_cast %get3A_463 : i32 to index
      %get3A_465 = arith.constant 384 : index
      %get3A_466 = tpu.vector_load %arg6[%get3A_464, %get3A_465] {strides = array<i32>} : memref<2x1024xf32, #tpu.memory_space<vmem>>, vector<16xf32>,
      %swap3A_467 = arith.index_cast %add3A_121 : i32 to index
      %swap3A_468 = arith.constant 384 : index
      %swap3A_469 = tpu.vector_load %arg8[%swap3A_467, %swap3A_468] {strides = array<i32>} : memref<8x1024xf32, #tpu.memory_space<vmem>>, vector<16xf32>,
      tpu.vector_store %arg8[%swap3A_467, %swap3A_468], %get3A_466 {strides = array<i32>} : memref<8x1024xf32, #tpu.memory_space<vmem>>, vector<16xf32>,
      %get3A_470 = arith.constant 0 : i32
      %get3A_471 = arith.index_cast %get3A_470 : i32 to index
      %get3A_472 = arith.constant 400 : index
      %get3A_473 = tpu.vector_load %arg6[%get3A_471, %get3A_472] {strides = array<i32>} : memref<2x1024xf32, #tpu.memory_space<vmem>>, vector<16xf32>,
      %swap3A_474 = arith.index_cast %add3A_121 : i32 to index
      %swap3A_475 = arith.constant 400 : index
      %swap3A_476 = tpu.vector_load %arg7[%swap3A_474, %swap3A_475] {strides = array<i32>} : memref<8x1024xf32, #tpu.memory_space<vmem>>, vector<16xf32>,
      tpu.vector_store %arg7[%swap3A_474, %swap3A_475], %get3A_473 {strides = array<i32>} : memref<8x1024xf32, #tpu.memory_space<vmem>>, vector<16xf32>,
      %get3A_477 = arith.constant 1 : i32
      %get3A_478 = arith.index_cast %get3A_477 : i32 to index
      %get3A_479 = arith.constant 400 : index
      %get3A_480 = tpu.vector_load %arg6[%get3A_478, %get3A_479] {strides = array<i32>} : memref<2x1024xf32, #tpu.memory_space<vmem>>, vector<16xf32>,
      %swap3A_481 = arith.index_cast %add3A_121 : i32 to index
      %swap3A_482 = arith.constant 400 : index
      %swap3A_483 = tpu.vector_load %arg8[%swap3A_481, %swap3A_482] {strides = array<i32>} : memref<8x1024xf32, #tpu.memory_space<vmem>>, vector<16xf32>,
      tpu.vector_store %arg8[%swap3A_481, %swap3A_482], %get3A_480 {strides = array<i32>} : memref<8x1024xf32, #tpu.memory_space<vmem>>, vector<16xf32>,
      %get3A_484 = arith.constant 0 : i32
      %get3A_485 = arith.index_cast %get3A_484 : i32 to index
      %get3A_486 = arith.constant 416 : index
      %get3A_487 = tpu.vector_load %arg6[%get3A_485, %get3A_486] {strides = array<i32>} : memref<2x1024xf32, #tpu.memory_space<vmem>>, vector<16xf32>,
      %swap3A_488 = arith.index_cast %add3A_121 : i32 to index
      %swap3A_489 = arith.constant 416 : index
      %swap3A_490 = tpu.vector_load %arg7[%swap3A_488, %swap3A_489] {strides = array<i32>} : memref<8x1024xf32, #tpu.memory_space<vmem>>, vector<16xf32>,
      tpu.vector_store %arg7[%swap3A_488, %swap3A_489], %get3A_487 {strides = array<i32>} : memref<8x1024xf32, #tpu.memory_space<vmem>>, vector<16xf32>,
      %get3A_491 = arith.constant 1 : i32
      %get3A_492 = arith.index_cast %get3A_491 : i32 to index
      %get3A_493 = arith.constant 416 : index
      %get3A_494 = tpu.vector_load %arg6[%get3A_492, %get3A_493] {strides = array<i32>} : memref<2x1024xf32, #tpu.memory_space<vmem>>, vector<16xf32>,
      %swap3A_495 = arith.index_cast %add3A_121 : i32 to index
      %swap3A_496 = arith.constant 416 : index
      %swap3A_497 = tpu.vector_load %arg8[%swap3A_495, %swap3A_496] {strides = array<i32>} : memref<8x1024xf32, #tpu.memory_space<vmem>>, vector<16xf32>,
      tpu.vector_store %arg8[%swap3A_495, %swap3A_496], %get3A_494 {strides = array<i32>} : memref<8x1024xf32, #tpu.memory_space<vmem>>, vector<16xf32>,
      %get3A_498 = arith.constant 0 : i32
      %get3A_499 = arith.index_cast %get3A_498 : i32 to index
      %get3A_500 = arith.constant 432 : index
      %get3A_501 = tpu.vector_load %arg6[%get3A_499, %get3A_500] {strides = array<i32>} : memref<2x1024xf32, #tpu.memory_space<vmem>>, vector<16xf32>,
      %swap3A_502 = arith.index_cast %add3A_121 : i32 to index
      %swap3A_503 = arith.constant 432 : index
      %swap3A_504 = tpu.vector_load %arg7[%swap3A_502, %swap3A_503] {strides = array<i32>} : memref<8x1024xf32, #tpu.memory_space<vmem>>, vector<16xf32>,
      tpu.vector_store %arg7[%swap3A_502, %swap3A_503], %get3A_501 {strides = array<i32>} : memref<8x1024xf32, #tpu.memory_space<vmem>>, vector<16xf32>,
      %get3A_505 = arith.constant 1 : i32
      %get3A_506 = arith.index_cast %get3A_505 : i32 to index
      %get3A_507 = arith.constant 432 : index
      %get3A_508 = tpu.vector_load %arg6[%get3A_506, %get3A_507] {strides = array<i32>} : memref<2x1024xf32, #tpu.memory_space<vmem>>, vector<16xf32>,
      %swap3A_509 = arith.index_cast %add3A_121 : i32 to index
      %swap3A_510 = arith.constant 432 : index
      %swap3A_511 = tpu.vector_load %arg8[%swap3A_509, %swap3A_510] {strides = array<i32>} : memref<8x1024xf32, #tpu.memory_space<vmem>>, vector<16xf32>,
      tpu.vector_store %arg8[%swap3A_509, %swap3A_510], %get3A_508 {strides = array<i32>} : memref<8x1024xf32, #tpu.memory_space<vmem>>, vector<16xf32>,
      %get3A_512 = arith.constant 0 : i32
      %get3A_513 = arith.index_cast %get3A_512 : i32 to index
      %get3A_514 = arith.constant 448 : index
      %get3A_515 = tpu.vector_load %arg6[%get3A_513, %get3A_514] {strides = array<i32>} : memref<2x1024xf32, #tpu.memory_space<vmem>>, vector<16xf32>,
      %swap3A_516 = arith.index_cast %add3A_121 : i32 to index
      %swap3A_517 = arith.constant 448 : index
      %swap3A_518 = tpu.vector_load %arg7[%swap3A_516, %swap3A_517] {strides = array<i32>} : memref<8x1024xf32, #tpu.memory_space<vmem>>, vector<16xf32>,
      tpu.vector_store %arg7[%swap3A_516, %swap3A_517], %get3A_515 {strides = array<i32>} : memref<8x1024xf32, #tpu.memory_space<vmem>>, vector<16xf32>,
      %get3A_519 = arith.constant 1 : i32
      %get3A_520 = arith.index_cast %get3A_519 : i32 to index
      %get3A_521 = arith.constant 448 : index
      %get3A_522 = tpu.vector_load %arg6[%get3A_520, %get3A_521] {strides = array<i32>} : memref<2x1024xf32, #tpu.memory_space<vmem>>, vector<16xf32>,
      %swap3A_523 = arith.index_cast %add3A_121 : i32 to index
      %swap3A_524 = arith.constant 448 : index
      %swap3A_525 = tpu.vector_load %arg8[%swap3A_523, %swap3A_524] {strides = array<i32>} : memref<8x1024xf32, #tpu.memory_space<vmem>>, vector<16xf32>,
      tpu.vector_store %arg8[%swap3A_523, %swap3A_524], %get3A_522 {strides = array<i32>} : memref<8x1024xf32, #tpu.memory_space<vmem>>, vector<16xf32>,
      %get3A_526 = arith.constant 0 : i32
      %get3A_527 = arith.index_cast %get3A_526 : i32 to index
      %get3A_528 = arith.constant 464 : index
      %get3A_529 = tpu.vector_load %arg6[%get3A_527, %get3A_528] {strides = array<i32>} : memref<2x1024xf32, #tpu.memory_space<vmem>>, vector<16xf32>,
      %swap3A_530 = arith.index_cast %add3A_121 : i32 to index
      %swap3A_531 = arith.constant 464 : index
      %swap3A_532 = tpu.vector_load %arg7[%swap3A_530, %swap3A_531] {strides = array<i32>} : memref<8x1024xf32, #tpu.memory_space<vmem>>, vector<16xf32>,
      tpu.vector_store %arg7[%swap3A_530, %swap3A_531], %get3A_529 {strides = array<i32>} : memref<8x1024xf32, #tpu.memory_space<vmem>>, vector<16xf32>,
      %get3A_533 = arith.constant 1 : i32
      %get3A_534 = arith.index_cast %get3A_533 : i32 to index
      %get3A_535 = arith.constant 464 : index
      %get3A_536 = tpu.vector_load %arg6[%get3A_534, %get3A_535] {strides = array<i32>} : memref<2x1024xf32, #tpu.memory_space<vmem>>, vector<16xf32>,
      %swap3A_537 = arith.index_cast %add3A_121 : i32 to index
      %swap3A_538 = arith.constant 464 : index
      %swap3A_539 = tpu.vector_load %arg8[%swap3A_537, %swap3A_538] {strides = array<i32>} : memref<8x1024xf32, #tpu.memory_space<vmem>>, vector<16xf32>,
      tpu.vector_store %arg8[%swap3A_537, %swap3A_538], %get3A_536 {strides = array<i32>} : memref<8x1024xf32, #tpu.memory_space<vmem>>, vector<16xf32>,
      %get3A_540 = arith.constant 0 : i32
      %get3A_541 = arith.index_cast %get3A_540 : i32 to index
      %get3A_542 = arith.constant 480 : index
      %get3A_543 = tpu.vector_load %arg6[%get3A_541, %get3A_542] {strides = array<i32>} : memref<2x1024xf32, #tpu.memory_space<vmem>>, vector<16xf32>,
      %swap3A_544 = arith.index_cast %add3A_121 : i32 to index
      %swap3A_545 = arith.constant 480 : index
      %swap3A_546 = tpu.vector_load %arg7[%swap3A_544, %swap3A_545] {strides = array<i32>} : memref<8x1024xf32, #tpu.memory_space<vmem>>, vector<16xf32>,
      tpu.vector_store %arg7[%swap3A_544, %swap3A_545], %get3A_543 {strides = array<i32>} : memref<8x1024xf32, #tpu.memory_space<vmem>>, vector<16xf32>,
      %get3A_547 = arith.constant 1 : i32
      %get3A_548 = arith.index_cast %get3A_547 : i32 to index
      %get3A_549 = arith.constant 480 : index
      %get3A_550 = tpu.vector_load %arg6[%get3A_548, %get3A_549] {strides = array<i32>} : memref<2x1024xf32, #tpu.memory_space<vmem>>, vector<16xf32>,
      %swap3A_551 = arith.index_cast %add3A_121 : i32 to index
      %swap3A_552 = arith.constant 480 : index
      %swap3A_553 = tpu.vector_load %arg8[%swap3A_551, %swap3A_552] {strides = array<i32>} : memref<8x1024xf32, #tpu.memory_space<vmem>>, vector<16xf32>,
      tpu.vector_store %arg8[%swap3A_551, %swap3A_552], %get3A_550 {strides = array<i32>} : memref<8x1024xf32, #tpu.memory_space<vmem>>, vector<16xf32>,
      %get3A_554 = arith.constant 0 : i32
      %get3A_555 = arith.index_cast %get3A_554 : i32 to index
      %get3A_556 = arith.constant 496 : index
      %get3A_557 = tpu.vector_load %arg6[%get3A_555, %get3A_556] {strides = array<i32>} : memref<2x1024xf32, #tpu.memory_space<vmem>>, vector<16xf32>,
      %swap3A_558 = arith.index_cast %add3A_121 : i32 to index
      %swap3A_559 = arith.constant 496 : index
      %swap3A_560 = tpu.vector_load %arg7[%swap3A_558, %swap3A_559] {strides = array<i32>} : memref<8x1024xf32, #tpu.memory_space<vmem>>, vector<16xf32>,
      tpu.vector_store %arg7[%swap3A_558, %swap3A_559], %get3A_557 {strides = array<i32>} : memref<8x1024xf32, #tpu.memory_space<vmem>>, vector<16xf32>,
      %get3A_561 = arith.constant 1 : i32
      %get3A_562 = arith.index_cast %get3A_561 : i32 to index
      %get3A_563 = arith.constant 496 : index
      %get3A_564 = tpu.vector_load %arg6[%get3A_562, %get3A_563] {strides = array<i32>} : memref<2x1024xf32, #tpu.memory_space<vmem>>, vector<16xf32>,
      %swap3A_565 = arith.index_cast %add3A_121 : i32 to index
      %swap3A_566 = arith.constant 496 : index
      %swap3A_567 = tpu.vector_load %arg8[%swap3A_565, %swap3A_566] {strides = array<i32>} : memref<8x1024xf32, #tpu.memory_space<vmem>>, vector<16xf32>,
      tpu.vector_store %arg8[%swap3A_565, %swap3A_566], %get3A_564 {strides = array<i32>} : memref<8x1024xf32, #tpu.memory_space<vmem>>, vector<16xf32>,
      %get3A_568 = arith.constant 0 : i32
      %get3A_569 = arith.index_cast %get3A_568 : i32 to index
      %get3A_570 = arith.constant 512 : index
      %get3A_571 = tpu.vector_load %arg6[%get3A_569, %get3A_570] {strides = array<i32>} : memref<2x1024xf32, #tpu.memory_space<vmem>>, vector<16xf32>,
      %swap3A_572 = arith.index_cast %add3A_121 : i32 to index
      %swap3A_573 = arith.constant 512 : index
      %swap3A_574 = tpu.vector_load %arg7[%swap3A_572, %swap3A_573] {strides = array<i32>} : memref<8x1024xf32, #tpu.memory_space<vmem>>, vector<16xf32>,
      tpu.vector_store %arg7[%swap3A_572, %swap3A_573], %get3A_571 {strides = array<i32>} : memref<8x1024xf32, #tpu.memory_space<vmem>>, vector<16xf32>,
      %get3A_575 = arith.constant 1 : i32
      %get3A_576 = arith.index_cast %get3A_575 : i32 to index
      %get3A_577 = arith.constant 512 : index
      %get3A_578 = tpu.vector_load %arg6[%get3A_576, %get3A_577] {strides = array<i32>} : memref<2x1024xf32, #tpu.memory_space<vmem>>, vector<16xf32>,
      %swap3A_579 = arith.index_cast %add3A_121 : i32 to index
      %swap3A_580 = arith.constant 512 : index
      %swap3A_581 = tpu.vector_load %arg8[%swap3A_579, %swap3A_580] {strides = array<i32>} : memref<8x1024xf32, #tpu.memory_space<vmem>>, vector<16xf32>,
      tpu.vector_store %arg8[%swap3A_579, %swap3A_580], %get3A_578 {strides = array<i32>} : memref<8x1024xf32, #tpu.memory_space<vmem>>, vector<16xf32>,
      %get3A_582 = arith.constant 0 : i32
      %get3A_583 = arith.index_cast %get3A_582 : i32 to index
      %get3A_584 = arith.constant 528 : index
      %get3A_585 = tpu.vector_load %arg6[%get3A_583, %get3A_584] {strides = array<i32>} : memref<2x1024xf32, #tpu.memory_space<vmem>>, vector<16xf32>,
      %swap3A_586 = arith.index_cast %add3A_121 : i32 to index
      %swap3A_587 = arith.constant 528 : index
      %swap3A_588 = tpu.vector_load %arg7[%swap3A_586, %swap3A_587] {strides = array<i32>} : memref<8x1024xf32, #tpu.memory_space<vmem>>, vector<16xf32>,
      tpu.vector_store %arg7[%swap3A_586, %swap3A_587], %get3A_585 {strides = array<i32>} : memref<8x1024xf32, #tpu.memory_space<vmem>>, vector<16xf32>,
      %get3A_589 = arith.constant 1 : i32
      %get3A_590 = arith.index_cast %get3A_589 : i32 to index
      %get3A_591 = arith.constant 528 : index
      %get3A_592 = tpu.vector_load %arg6[%get3A_590, %get3A_591] {strides = array<i32>} : memref<2x1024xf32, #tpu.memory_space<vmem>>, vector<16xf32>,
      %swap3A_593 = arith.index_cast %add3A_121 : i32 to index
      %swap3A_594 = arith.constant 528 : index
      %swap3A_595 = tpu.vector_load %arg8[%swap3A_593, %swap3A_594] {strides = array<i32>} : memref<8x1024xf32, #tpu.memory_space<vmem>>, vector<16xf32>,
      tpu.vector_store %arg8[%swap3A_593, %swap3A_594], %get3A_592 {strides = array<i32>} : memref<8x1024xf32, #tpu.memory_space<vmem>>, vector<16xf32>,
      %get3A_596 = arith.constant 0 : i32
      %get3A_597 = arith.index_cast %get3A_596 : i32 to index
      %get3A_598 = arith.constant 544 : index
      %get3A_599 = tpu.vector_load %arg6[%get3A_597, %get3A_598] {strides = array<i32>} : memref<2x1024xf32, #tpu.memory_space<vmem>>, vector<16xf32>,
      %swap3A_600 = arith.index_cast %add3A_121 : i32 to index
      %swap3A_601 = arith.constant 544 : index
      %swap3A_602 = tpu.vector_load %arg7[%swap3A_600, %swap3A_601] {strides = array<i32>} : memref<8x1024xf32, #tpu.memory_space<vmem>>, vector<16xf32>,
      tpu.vector_store %arg7[%swap3A_600, %swap3A_601], %get3A_599 {strides = array<i32>} : memref<8x1024xf32, #tpu.memory_space<vmem>>, vector<16xf32>,
      %get3A_603 = arith.constant 1 : i32
      %get3A_604 = arith.index_cast %get3A_603 : i32 to index
      %get3A_605 = arith.constant 544 : index
      %get3A_606 = tpu.vector_load %arg6[%get3A_604, %get3A_605] {strides = array<i32>} : memref<2x1024xf32, #tpu.memory_space<vmem>>, vector<16xf32>,
      %swap3A_607 = arith.index_cast %add3A_121 : i32 to index
      %swap3A_608 = arith.constant 544 : index
      %swap3A_609 = tpu.vector_load %arg8[%swap3A_607, %swap3A_608] {strides = array<i32>} : memref<8x1024xf32, #tpu.memory_space<vmem>>, vector<16xf32>,
      tpu.vector_store %arg8[%swap3A_607, %swap3A_608], %get3A_606 {strides = array<i32>} : memref<8x1024xf32, #tpu.memory_space<vmem>>, vector<16xf32>,
      %get3A_610 = arith.constant 0 : i32
      %get3A_611 = arith.index_cast %get3A_610 : i32 to index
      %get3A_612 = arith.constant 560 : index
      %get3A_613 = tpu.vector_load %arg6[%get3A_611, %get3A_612] {strides = array<i32>} : memref<2x1024xf32, #tpu.memory_space<vmem>>, vector<16xf32>,
      %swap3A_614 = arith.index_cast %add3A_121 : i32 to index
      %swap3A_615 = arith.constant 560 : index
      %swap3A_616 = tpu.vector_load %arg7[%swap3A_614, %swap3A_615] {strides = array<i32>} : memref<8x1024xf32, #tpu.memory_space<vmem>>, vector<16xf32>,
      tpu.vector_store %arg7[%swap3A_614, %swap3A_615], %get3A_613 {strides = array<i32>} : memref<8x1024xf32, #tpu.memory_space<vmem>>, vector<16xf32>,
      %get3A_617 = arith.constant 1 : i32
      %get3A_618 = arith.index_cast %get3A_617 : i32 to index
      %get3A_619 = arith.constant 560 : index
      %get3A_620 = tpu.vector_load %arg6[%get3A_618, %get3A_619] {strides = array<i32>} : memref<2x1024xf32, #tpu.memory_space<vmem>>, vector<16xf32>,
      %swap3A_621 = arith.index_cast %add3A_121 : i32 to index
      %swap3A_622 = arith.constant 560 : index
      %swap3A_623 = tpu.vector_load %arg8[%swap3A_621, %swap3A_622] {strides = array<i32>} : memref<8x1024xf32, #tpu.memory_space<vmem>>, vector<16xf32>,
      tpu.vector_store %arg8[%swap3A_621, %swap3A_622], %get3A_620 {strides = array<i32>} : memref<8x1024xf32, #tpu.memory_space<vmem>>, vector<16xf32>,
      %get3A_624 = arith.constant 0 : i32
      %get3A_625 = arith.index_cast %get3A_624 : i32 to index
      %get3A_626 = arith.constant 576 : index
      %get3A_627 = tpu.vector_load %arg6[%get3A_625, %get3A_626] {strides = array<i32>} : memref<2x1024xf32, #tpu.memory_space<vmem>>, vector<16xf32>,
      %swap3A_628 = arith.index_cast %add3A_121 : i32 to index
      %swap3A_629 = arith.constant 576 : index
      %swap3A_630 = tpu.vector_load %arg7[%swap3A_628, %swap3A_629] {strides = array<i32>} : memref<8x1024xf32, #tpu.memory_space<vmem>>, vector<16xf32>,
      tpu.vector_store %arg7[%swap3A_628, %swap3A_629], %get3A_627 {strides = array<i32>} : memref<8x1024xf32, #tpu.memory_space<vmem>>, vector<16xf32>,
      %get3A_631 = arith.constant 1 : i32
      %get3A_632 = arith.index_cast %get3A_631 : i32 to index
      %get3A_633 = arith.constant 576 : index
      %get3A_634 = tpu.vector_load %arg6[%get3A_632, %get3A_633] {strides = array<i32>} : memref<2x1024xf32, #tpu.memory_space<vmem>>, vector<16xf32>,
      %swap3A_635 = arith.index_cast %add3A_121 : i32 to index
      %swap3A_636 = arith.constant 576 : index
      %swap3A_637 = tpu.vector_load %arg8[%swap3A_635, %swap3A_636] {strides = array<i32>} : memref<8x1024xf32, #tpu.memory_space<vmem>>, vector<16xf32>,
      tpu.vector_store %arg8[%swap3A_635, %swap3A_636], %get3A_634 {strides = array<i32>} : memref<8x1024xf32, #tpu.memory_space<vmem>>, vector<16xf32>,
      %get3A_638 = arith.constant 0 : i32
      %get3A_639 = arith.index_cast %get3A_638 : i32 to index
      %get3A_640 = arith.constant 592 : index
      %get3A_641 = tpu.vector_load %arg6[%get3A_639, %get3A_640] {strides = array<i32>} : memref<2x1024xf32, #tpu.memory_space<vmem>>, vector<16xf32>,
      %swap3A_642 = arith.index_cast %add3A_121 : i32 to index
      %swap3A_643 = arith.constant 592 : index
      %swap3A_644 = tpu.vector_load %arg7[%swap3A_642, %swap3A_643] {strides = array<i32>} : memref<8x1024xf32, #tpu.memory_space<vmem>>, vector<16xf32>,
      tpu.vector_store %arg7[%swap3A_642, %swap3A_643], %get3A_641 {strides = array<i32>} : memref<8x1024xf32, #tpu.memory_space<vmem>>, vector<16xf32>,
      %get3A_645 = arith.constant 1 : i32
      %get3A_646 = arith.index_cast %get3A_645 : i32 to index
      %get3A_647 = arith.constant 592 : index
      %get3A_648 = tpu.vector_load %arg6[%get3A_646, %get3A_647] {strides = array<i32>} : memref<2x1024xf32, #tpu.memory_space<vmem>>, vector<16xf32>,
      %swap3A_649 = arith.index_cast %add3A_121 : i32 to index
      %swap3A_650 = arith.constant 592 : index
      %swap3A_651 = tpu.vector_load %arg8[%swap3A_649, %swap3A_650] {strides = array<i32>} : memref<8x1024xf32, #tpu.memory_space<vmem>>, vector<16xf32>,
      tpu.vector_store %arg8[%swap3A_649, %swap3A_650], %get3A_648 {strides = array<i32>} : memref<8x1024xf32, #tpu.memory_space<vmem>>, vector<16xf32>,
      %get3A_652 = arith.constant 0 : i32
      %get3A_653 = arith.index_cast %get3A_652 : i32 to index
      %get3A_654 = arith.constant 608 : index
      %get3A_655 = tpu.vector_load %arg6[%get3A_653, %get3A_654] {strides = array<i32>} : memref<2x1024xf32, #tpu.memory_space<vmem>>, vector<16xf32>,
      %swap3A_656 = arith.index_cast %add3A_121 : i32 to index
      %swap3A_657 = arith.constant 608 : index
      %swap3A_658 = tpu.vector_load %arg7[%swap3A_656, %swap3A_657] {strides = array<i32>} : memref<8x1024xf32, #tpu.memory_space<vmem>>, vector<16xf32>,
      tpu.vector_store %arg7[%swap3A_656, %swap3A_657], %get3A_655 {strides = array<i32>} : memref<8x1024xf32, #tpu.memory_space<vmem>>, vector<16xf32>,
      %get3A_659 = arith.constant 1 : i32
      %get3A_660 = arith.index_cast %get3A_659 : i32 to index
      %get3A_661 = arith.constant 608 : index
      %get3A_662 = tpu.vector_load %arg6[%get3A_660, %get3A_661] {strides = array<i32>} : memref<2x1024xf32, #tpu.memory_space<vmem>>, vector<16xf32>,
      %swap3A_663 = arith.index_cast %add3A_121 : i32 to index
      %swap3A_664 = arith.constant 608 : index
      %swap3A_665 = tpu.vector_load %arg8[%swap3A_663, %swap3A_664] {strides = array<i32>} : memref<8x1024xf32, #tpu.memory_space<vmem>>, vector<16xf32>,
      tpu.vector_store %arg8[%swap3A_663, %swap3A_664], %get3A_662 {strides = array<i32>} : memref<8x1024xf32, #tpu.memory_space<vmem>>, vector<16xf32>,
      %get3A_666 = arith.constant 0 : i32
      %get3A_667 = arith.index_cast %get3A_666 : i32 to index
      %get3A_668 = arith.constant 624 : index
      %get3A_669 = tpu.vector_load %arg6[%get3A_667, %get3A_668] {strides = array<i32>} : memref<2x1024xf32, #tpu.memory_space<vmem>>, vector<16xf32>,
      %swap3A_670 = arith.index_cast %add3A_121 : i32 to index
      %swap3A_671 = arith.constant 624 : index
      %swap3A_672 = tpu.vector_load %arg7[%swap3A_670, %swap3A_671] {strides = array<i32>} : memref<8x1024xf32, #tpu.memory_space<vmem>>, vector<16xf32>,
      tpu.vector_store %arg7[%swap3A_670, %swap3A_671], %get3A_669 {strides = array<i32>} : memref<8x1024xf32, #tpu.memory_space<vmem>>, vector<16xf32>,
      %get3A_673 = arith.constant 1 : i32
      %get3A_674 = arith.index_cast %get3A_673 : i32 to index
      %get3A_675 = arith.constant 624 : index
      %get3A_676 = tpu.vector_load %arg6[%get3A_674, %get3A_675] {strides = array<i32>} : memref<2x1024xf32, #tpu.memory_space<vmem>>, vector<16xf32>,
      %swap3A_677 = arith.index_cast %add3A_121 : i32 to index
      %swap3A_678 = arith.constant 624 : index
      %swap3A_679 = tpu.vector_load %arg8[%swap3A_677, %swap3A_678] {strides = array<i32>} : memref<8x1024xf32, #tpu.memory_space<vmem>>, vector<16xf32>,
      tpu.vector_store %arg8[%swap3A_677, %swap3A_678], %get3A_676 {strides = array<i32>} : memref<8x1024xf32, #tpu.memory_space<vmem>>, vector<16xf32>,
      %get3A_680 = arith.constant 0 : i32
      %get3A_681 = arith.index_cast %get3A_680 : i32 to index
      %get3A_682 = arith.constant 640 : index
      %get3A_683 = tpu.vector_load %arg6[%get3A_681, %get3A_682] {strides = array<i32>} : memref<2x1024xf32, #tpu.memory_space<vmem>>, vector<16xf32>,
      %swap3A_684 = arith.index_cast %add3A_121 : i32 to index
      %swap3A_685 = arith.constant 640 : index
      %swap3A_686 = tpu.vector_load %arg7[%swap3A_684, %swap3A_685] {strides = array<i32>} : memref<8x1024xf32, #tpu.memory_space<vmem>>, vector<16xf32>,
      tpu.vector_store %arg7[%swap3A_684, %swap3A_685], %get3A_683 {strides = array<i32>} : memref<8x1024xf32, #tpu.memory_space<vmem>>, vector<16xf32>,
      %get3A_687 = arith.constant 1 : i32
      %get3A_688 = arith.index_cast %get3A_687 : i32 to index
      %get3A_689 = arith.constant 640 : index
      %get3A_690 = tpu.vector_load %arg6[%get3A_688, %get3A_689] {strides = array<i32>} : memref<2x1024xf32, #tpu.memory_space<vmem>>, vector<16xf32>,
      %swap3A_691 = arith.index_cast %add3A_121 : i32 to index
      %swap3A_692 = arith.constant 640 : index
      %swap3A_693 = tpu.vector_load %arg8[%swap3A_691, %swap3A_692] {strides = array<i32>} : memref<8x1024xf32, #tpu.memory_space<vmem>>, vector<16xf32>,
      tpu.vector_store %arg8[%swap3A_691, %swap3A_692], %get3A_690 {strides = array<i32>} : memref<8x1024xf32, #tpu.memory_space<vmem>>, vector<16xf32>,
      %get3A_694 = arith.constant 0 : i32
      %get3A_695 = arith.index_cast %get3A_694 : i32 to index
      %get3A_696 = arith.constant 656 : index
      %get3A_697 = tpu.vector_load %arg6[%get3A_695, %get3A_696] {strides = array<i32>} : memref<2x1024xf32, #tpu.memory_space<vmem>>, vector<16xf32>,
      %swap3A_698 = arith.index_cast %add3A_121 : i32 to index
      %swap3A_699 = arith.constant 656 : index
      %swap3A_700 = tpu.vector_load %arg7[%swap3A_698, %swap3A_699] {strides = array<i32>} : memref<8x1024xf32, #tpu.memory_space<vmem>>, vector<16xf32>,
      tpu.vector_store %arg7[%swap3A_698, %swap3A_699], %get3A_697 {strides = array<i32>} : memref<8x1024xf32, #tpu.memory_space<vmem>>, vector<16xf32>,
      %get3A_701 = arith.constant 1 : i32
      %get3A_702 = arith.index_cast %get3A_701 : i32 to index
      %get3A_703 = arith.constant 656 : index
      %get3A_704 = tpu.vector_load %arg6[%get3A_702, %get3A_703] {strides = array<i32>} : memref<2x1024xf32, #tpu.memory_space<vmem>>, vector<16xf32>,
      %swap3A_705 = arith.index_cast %add3A_121 : i32 to index
      %swap3A_706 = arith.constant 656 : index
      %swap3A_707 = tpu.vector_load %arg8[%swap3A_705, %swap3A_706] {strides = array<i32>} : memref<8x1024xf32, #tpu.memory_space<vmem>>, vector<16xf32>,
      tpu.vector_store %arg8[%swap3A_705, %swap3A_706], %get3A_704 {strides = array<i32>} : memref<8x1024xf32, #tpu.memory_space<vmem>>, vector<16xf32>,
      %get3A_708 = arith.constant 0 : i32
      %get3A_709 = arith.index_cast %get3A_708 : i32 to index
      %get3A_710 = arith.constant 672 : index
      %get3A_711 = tpu.vector_load %arg6[%get3A_709, %get3A_710] {strides = array<i32>} : memref<2x1024xf32, #tpu.memory_space<vmem>>, vector<16xf32>,
      %swap3A_712 = arith.index_cast %add3A_121 : i32 to index
      %swap3A_713 = arith.constant 672 : index
      %swap3A_714 = tpu.vector_load %arg7[%swap3A_712, %swap3A_713] {strides = array<i32>} : memref<8x1024xf32, #tpu.memory_space<vmem>>, vector<16xf32>,
      tpu.vector_store %arg7[%swap3A_712, %swap3A_713], %get3A_711 {strides = array<i32>} : memref<8x1024xf32, #tpu.memory_space<vmem>>, vector<16xf32>,
      %get3A_715 = arith.constant 1 : i32
      %get3A_716 = arith.index_cast %get3A_715 : i32 to index
      %get3A_717 = arith.constant 672 : index
      %get3A_718 = tpu.vector_load %arg6[%get3A_716, %get3A_717] {strides = array<i32>} : memref<2x1024xf32, #tpu.memory_space<vmem>>, vector<16xf32>,
      %swap3A_719 = arith.index_cast %add3A_121 : i32 to index
      %swap3A_720 = arith.constant 672 : index
      %swap3A_721 = tpu.vector_load %arg8[%swap3A_719, %swap3A_720] {strides = array<i32>} : memref<8x1024xf32, #tpu.memory_space<vmem>>, vector<16xf32>,
      tpu.vector_store %arg8[%swap3A_719, %swap3A_720], %get3A_718 {strides = array<i32>} : memref<8x1024xf32, #tpu.memory_space<vmem>>, vector<16xf32>,
      %get3A_722 = arith.constant 0 : i32
      %get3A_723 = arith.index_cast %get3A_722 : i32 to index
      %get3A_724 = arith.constant 688 : index
      %get3A_725 = tpu.vector_load %arg6[%get3A_723, %get3A_724] {strides = array<i32>} : memref<2x1024xf32, #tpu.memory_space<vmem>>, vector<16xf32>,
      %swap3A_726 = arith.index_cast %add3A_121 : i32 to index
      %swap3A_727 = arith.constant 688 : index
      %swap3A_728 = tpu.vector_load %arg7[%swap3A_726, %swap3A_727] {strides = array<i32>} : memref<8x1024xf32, #tpu.memory_space<vmem>>, vector<16xf32>,
      tpu.vector_store %arg7[%swap3A_726, %swap3A_727], %get3A_725 {strides = array<i32>} : memref<8x1024xf32, #tpu.memory_space<vmem>>, vector<16xf32>,
      %get3A_729 = arith.constant 1 : i32
      %get3A_730 = arith.index_cast %get3A_729 : i32 to index
      %get3A_731 = arith.constant 688 : index
      %get3A_732 = tpu.vector_load %arg6[%get3A_730, %get3A_731] {strides = array<i32>} : memref<2x1024xf32, #tpu.memory_space<vmem>>, vector<16xf32>,
      %swap3A_733 = arith.index_cast %add3A_121 : i32 to index
      %swap3A_734 = arith.constant 688 : index
      %swap3A_735 = tpu.vector_load %arg8[%swap3A_733, %swap3A_734] {strides = array<i32>} : memref<8x1024xf32, #tpu.memory_space<vmem>>, vector<16xf32>,
      tpu.vector_store %arg8[%swap3A_733, %swap3A_734], %get3A_732 {strides = array<i32>} : memref<8x1024xf32, #tpu.memory_space<vmem>>, vector<16xf32>,
      %get3A_736 = arith.constant 0 : i32
      %get3A_737 = arith.index_cast %get3A_736 : i32 to index
      %get3A_738 = arith.constant 704 : index
      %get3A_739 = tpu.vector_load %arg6[%get3A_737, %get3A_738] {strides = array<i32>} : memref<2x1024xf32, #tpu.memory_space<vmem>>, vector<16xf32>,
      %swap3A_740 = arith.index_cast %add3A_121 : i32 to index
      %swap3A_741 = arith.constant 704 : index
      %swap3A_742 = tpu.vector_load %arg7[%swap3A_740, %swap3A_741] {strides = array<i32>} : memref<8x1024xf32, #tpu.memory_space<vmem>>, vector<16xf32>,
      tpu.vector_store %arg7[%swap3A_740, %swap3A_741], %get3A_739 {strides = array<i32>} : memref<8x1024xf32, #tpu.memory_space<vmem>>, vector<16xf32>,
      %get3A_743 = arith.constant 1 : i32
      %get3A_744 = arith.index_cast %get3A_743 : i32 to index
      %get3A_745 = arith.constant 704 : index
      %get3A_746 = tpu.vector_load %arg6[%get3A_744, %get3A_745] {strides = array<i32>} : memref<2x1024xf32, #tpu.memory_space<vmem>>, vector<16xf32>,
      %swap3A_747 = arith.index_cast %add3A_121 : i32 to index
      %swap3A_748 = arith.constant 704 : index
      %swap3A_749 = tpu.vector_load %arg8[%swap3A_747, %swap3A_748] {strides = array<i32>} : memref<8x1024xf32, #tpu.memory_space<vmem>>, vector<16xf32>,
      tpu.vector_store %arg8[%swap3A_747, %swap3A_748], %get3A_746 {strides = array<i32>} : memref<8x1024xf32, #tpu.memory_space<vmem>>, vector<16xf32>,
      %get3A_750 = arith.constant 0 : i32
      %get3A_751 = arith.index_cast %get3A_750 : i32 to index
      %get3A_752 = arith.constant 720 : index
      %get3A_753 = tpu.vector_load %arg6[%get3A_751, %get3A_752] {strides = array<i32>} : memref<2x1024xf32, #tpu.memory_space<vmem>>, vector<16xf32>,
      %swap3A_754 = arith.index_cast %add3A_121 : i32 to index
      %swap3A_755 = arith.constant 720 : index
      %swap3A_756 = tpu.vector_load %arg7[%swap3A_754, %swap3A_755] {strides = array<i32>} : memref<8x1024xf32, #tpu.memory_space<vmem>>, vector<16xf32>,
      tpu.vector_store %arg7[%swap3A_754, %swap3A_755], %get3A_753 {strides = array<i32>} : memref<8x1024xf32, #tpu.memory_space<vmem>>, vector<16xf32>,
      %get3A_757 = arith.constant 1 : i32
      %get3A_758 = arith.index_cast %get3A_757 : i32 to index
      %get3A_759 = arith.constant 720 : index
      %get3A_760 = tpu.vector_load %arg6[%get3A_758, %get3A_759] {strides = array<i32>} : memref<2x1024xf32, #tpu.memory_space<vmem>>, vector<16xf32>,
      %swap3A_761 = arith.index_cast %add3A_121 : i32 to index
      %swap3A_762 = arith.constant 720 : index
      %swap3A_763 = tpu.vector_load %arg8[%swap3A_761, %swap3A_762] {strides = array<i32>} : memref<8x1024xf32, #tpu.memory_space<vmem>>, vector<16xf32>,
      tpu.vector_store %arg8[%swap3A_761, %swap3A_762], %get3A_760 {strides = array<i32>} : memref<8x1024xf32, #tpu.memory_space<vmem>>, vector<16xf32>,
      %get3A_764 = arith.constant 0 : i32
      %get3A_765 = arith.index_cast %get3A_764 : i32 to index
      %get3A_766 = arith.constant 736 : index
      %get3A_767 = tpu.vector_load %arg6[%get3A_765, %get3A_766] {strides = array<i32>} : memref<2x1024xf32, #tpu.memory_space<vmem>>, vector<16xf32>,
      %swap3A_768 = arith.index_cast %add3A_121 : i32 to index
      %swap3A_769 = arith.constant 736 : index
      %swap3A_770 = tpu.vector_load %arg7[%swap3A_768, %swap3A_769] {strides = array<i32>} : memref<8x1024xf32, #tpu.memory_space<vmem>>, vector<16xf32>,
      tpu.vector_store %arg7[%swap3A_768, %swap3A_769], %get3A_767 {strides = array<i32>} : memref<8x1024xf32, #tpu.memory_space<vmem>>, vector<16xf32>,
      %get3A_771 = arith.constant 1 : i32
      %get3A_772 = arith.index_cast %get3A_771 : i32 to index
      %get3A_773 = arith.constant 736 : index
      %get3A_774 = tpu.vector_load %arg6[%get3A_772, %get3A_773] {strides = array<i32>} : memref<2x1024xf32, #tpu.memory_space<vmem>>, vector<16xf32>,
      %swap3A_775 = arith.index_cast %add3A_121 : i32 to index
      %swap3A_776 = arith.constant 736 : index
      %swap3A_777 = tpu.vector_load %arg8[%swap3A_775, %swap3A_776] {strides = array<i32>} : memref<8x1024xf32, #tpu.memory_space<vmem>>, vector<16xf32>,
      tpu.vector_store %arg8[%swap3A_775, %swap3A_776], %get3A_774 {strides = array<i32>} : memref<8x1024xf32, #tpu.memory_space<vmem>>, vector<16xf32>,
      %get3A_778 = arith.constant 0 : i32
      %get3A_779 = arith.index_cast %get3A_778 : i32 to index
      %get3A_780 = arith.constant 752 : index
      %get3A_781 = tpu.vector_load %arg6[%get3A_779, %get3A_780] {strides = array<i32>} : memref<2x1024xf32, #tpu.memory_space<vmem>>, vector<16xf32>,
      %swap3A_782 = arith.index_cast %add3A_121 : i32 to index
      %swap3A_783 = arith.constant 752 : index
      %swap3A_784 = tpu.vector_load %arg7[%swap3A_782, %swap3A_783] {strides = array<i32>} : memref<8x1024xf32, #tpu.memory_space<vmem>>, vector<16xf32>,
      tpu.vector_store %arg7[%swap3A_782, %swap3A_783], %get3A_781 {strides = array<i32>} : memref<8x1024xf32, #tpu.memory_space<vmem>>, vector<16xf32>,
      %get3A_785 = arith.constant 1 : i32
      %get3A_786 = arith.index_cast %get3A_785 : i32 to index
      %get3A_787 = arith.constant 752 : index
      %get3A_788 = tpu.vector_load %arg6[%get3A_786, %get3A_787] {strides = array<i32>} : memref<2x1024xf32, #tpu.memory_space<vmem>>, vector<16xf32>,
      %swap3A_789 = arith.index_cast %add3A_121 : i32 to index
      %swap3A_790 = arith.constant 752 : index
      %swap3A_791 = tpu.vector_load %arg8[%swap3A_789, %swap3A_790] {strides = array<i32>} : memref<8x1024xf32, #tpu.memory_space<vmem>>, vector<16xf32>,
      tpu.vector_store %arg8[%swap3A_789, %swap3A_790], %get3A_788 {strides = array<i32>} : memref<8x1024xf32, #tpu.memory_space<vmem>>, vector<16xf32>,
      %get3A_792 = arith.constant 0 : i32
      %get3A_793 = arith.index_cast %get3A_792 : i32 to index
      %get3A_794 = arith.constant 768 : index
      %get3A_795 = tpu.vector_load %arg6[%get3A_793, %get3A_794] {strides = array<i32>} : memref<2x1024xf32, #tpu.memory_space<vmem>>, vector<16xf32>,
      %swap3A_796 = arith.index_cast %add3A_121 : i32 to index
      %swap3A_797 = arith.constant 768 : index
      %swap3A_798 = tpu.vector_load %arg7[%swap3A_796, %swap3A_797] {strides = array<i32>} : memref<8x1024xf32, #tpu.memory_space<vmem>>, vector<16xf32>,
      tpu.vector_store %arg7[%swap3A_796, %swap3A_797], %get3A_795 {strides = array<i32>} : memref<8x1024xf32, #tpu.memory_space<vmem>>, vector<16xf32>,
      %get3A_799 = arith.constant 1 : i32
      %get3A_800 = arith.index_cast %get3A_799 : i32 to index
      %get3A_801 = arith.constant 768 : index
      %get3A_802 = tpu.vector_load %arg6[%get3A_800, %get3A_801] {strides = array<i32>} : memref<2x1024xf32, #tpu.memory_space<vmem>>, vector<16xf32>,
      %swap3A_803 = arith.index_cast %add3A_121 : i32 to index
      %swap3A_804 = arith.constant 768 : index
      %swap3A_805 = tpu.vector_load %arg8[%swap3A_803, %swap3A_804] {strides = array<i32>} : memref<8x1024xf32, #tpu.memory_space<vmem>>, vector<16xf32>,
      tpu.vector_store %arg8[%swap3A_803, %swap3A_804], %get3A_802 {strides = array<i32>} : memref<8x1024xf32, #tpu.memory_space<vmem>>, vector<16xf32>,
      %get3A_806 = arith.constant 0 : i32
      %get3A_807 = arith.index_cast %get3A_806 : i32 to index
      %get3A_808 = arith.constant 784 : index
      %get3A_809 = tpu.vector_load %arg6[%get3A_807, %get3A_808] {strides = array<i32>} : memref<2x1024xf32, #tpu.memory_space<vmem>>, vector<16xf32>,
      %swap3A_810 = arith.index_cast %add3A_121 : i32 to index
      %swap3A_811 = arith.constant 784 : index
      %swap3A_812 = tpu.vector_load %arg7[%swap3A_810, %swap3A_811] {strides = array<i32>} : memref<8x1024xf32, #tpu.memory_space<vmem>>, vector<16xf32>,
      tpu.vector_store %arg7[%swap3A_810, %swap3A_811], %get3A_809 {strides = array<i32>} : memref<8x1024xf32, #tpu.memory_space<vmem>>, vector<16xf32>,
      %get3A_813 = arith.constant 1 : i32
      %get3A_814 = arith.index_cast %get3A_813 : i32 to index
      %get3A_815 = arith.constant 784 : index
      %get3A_816 = tpu.vector_load %arg6[%get3A_814, %get3A_815] {strides = array<i32>} : memref<2x1024xf32, #tpu.memory_space<vmem>>, vector<16xf32>,
      %swap3A_817 = arith.index_cast %add3A_121 : i32 to index
      %swap3A_818 = arith.constant 784 : index
      %swap3A_819 = tpu.vector_load %arg8[%swap3A_817, %swap3A_818] {strides = array<i32>} : memref<8x1024xf32, #tpu.memory_space<vmem>>, vector<16xf32>,
      tpu.vector_store %arg8[%swap3A_817, %swap3A_818], %get3A_816 {strides = array<i32>} : memref<8x1024xf32, #tpu.memory_space<vmem>>, vector<16xf32>,
      %get3A_820 = arith.constant 0 : i32
      %get3A_821 = arith.index_cast %get3A_820 : i32 to index
      %get3A_822 = arith.constant 800 : index
      %get3A_823 = tpu.vector_load %arg6[%get3A_821, %get3A_822] {strides = array<i32>} : memref<2x1024xf32, #tpu.memory_space<vmem>>, vector<16xf32>,
      %swap3A_824 = arith.index_cast %add3A_121 : i32 to index
      %swap3A_825 = arith.constant 800 : index
      %swap3A_826 = tpu.vector_load %arg7[%swap3A_824, %swap3A_825] {strides = array<i32>} : memref<8x1024xf32, #tpu.memory_space<vmem>>, vector<16xf32>,
      tpu.vector_store %arg7[%swap3A_824, %swap3A_825], %get3A_823 {strides = array<i32>} : memref<8x1024xf32, #tpu.memory_space<vmem>>, vector<16xf32>,
      %get3A_827 = arith.constant 1 : i32
      %get3A_828 = arith.index_cast %get3A_827 : i32 to index
      %get3A_829 = arith.constant 800 : index
      %get3A_830 = tpu.vector_load %arg6[%get3A_828, %get3A_829] {strides = array<i32>} : memref<2x1024xf32, #tpu.memory_space<vmem>>, vector<16xf32>,
      %swap3A_831 = arith.index_cast %add3A_121 : i32 to index
      %swap3A_832 = arith.constant 800 : index
      %swap3A_833 = tpu.vector_load %arg8[%swap3A_831, %swap3A_832] {strides = array<i32>} : memref<8x1024xf32, #tpu.memory_space<vmem>>, vector<16xf32>,
      tpu.vector_store %arg8[%swap3A_831, %swap3A_832], %get3A_830 {strides = array<i32>} : memref<8x1024xf32, #tpu.memory_space<vmem>>, vector<16xf32>,
      %get3A_834 = arith.constant 0 : i32
      %get3A_835 = arith.index_cast %get3A_834 : i32 to index
      %get3A_836 = arith.constant 816 : index
      %get3A_837 = tpu.vector_load %arg6[%get3A_835, %get3A_836] {strides = array<i32>} : memref<2x1024xf32, #tpu.memory_space<vmem>>, vector<16xf32>,
      %swap3A_838 = arith.index_cast %add3A_121 : i32 to index
      %swap3A_839 = arith.constant 816 : index
      %swap3A_840 = tpu.vector_load %arg7[%swap3A_838, %swap3A_839] {strides = array<i32>} : memref<8x1024xf32, #tpu.memory_space<vmem>>, vector<16xf32>,
      tpu.vector_store %arg7[%swap3A_838, %swap3A_839], %get3A_837 {strides = array<i32>} : memref<8x1024xf32, #tpu.memory_space<vmem>>, vector<16xf32>,
      %get3A_841 = arith.constant 1 : i32
      %get3A_842 = arith.index_cast %get3A_841 : i32 to index
      %get3A_843 = arith.constant 816 : index
      %get3A_844 = tpu.vector_load %arg6[%get3A_842, %get3A_843] {strides = array<i32>} : memref<2x1024xf32, #tpu.memory_space<vmem>>, vector<16xf32>,
      %swap3A_845 = arith.index_cast %add3A_121 : i32 to index
      %swap3A_846 = arith.constant 816 : index
      %swap3A_847 = tpu.vector_load %arg8[%swap3A_845, %swap3A_846] {strides = array<i32>} : memref<8x1024xf32, #tpu.memory_space<vmem>>, vector<16xf32>,
      tpu.vector_store %arg8[%swap3A_845, %swap3A_846], %get3A_844 {strides = array<i32>} : memref<8x1024xf32, #tpu.memory_space<vmem>>, vector<16xf32>,
      %get3A_848 = arith.constant 0 : i32
      %get3A_849 = arith.index_cast %get3A_848 : i32 to index
      %get3A_850 = arith.constant 832 : index
      %get3A_851 = tpu.vector_load %arg6[%get3A_849, %get3A_850] {strides = array<i32>} : memref<2x1024xf32, #tpu.memory_space<vmem>>, vector<16xf32>,
      %swap3A_852 = arith.index_cast %add3A_121 : i32 to index
      %swap3A_853 = arith.constant 832 : index
      %swap3A_854 = tpu.vector_load %arg7[%swap3A_852, %swap3A_853] {strides = array<i32>} : memref<8x1024xf32, #tpu.memory_space<vmem>>, vector<16xf32>,
      tpu.vector_store %arg7[%swap3A_852, %swap3A_853], %get3A_851 {strides = array<i32>} : memref<8x1024xf32, #tpu.memory_space<vmem>>, vector<16xf32>,
      %get3A_855 = arith.constant 1 : i32
      %get3A_856 = arith.index_cast %get3A_855 : i32 to index
      %get3A_857 = arith.constant 832 : index
      %get3A_858 = tpu.vector_load %arg6[%get3A_856, %get3A_857] {strides = array<i32>} : memref<2x1024xf32, #tpu.memory_space<vmem>>, vector<16xf32>,
      %swap3A_859 = arith.index_cast %add3A_121 : i32 to index
      %swap3A_860 = arith.constant 832 : index
      %swap3A_861 = tpu.vector_load %arg8[%swap3A_859, %swap3A_860] {strides = array<i32>} : memref<8x1024xf32, #tpu.memory_space<vmem>>, vector<16xf32>,
      tpu.vector_store %arg8[%swap3A_859, %swap3A_860], %get3A_858 {strides = array<i32>} : memref<8x1024xf32, #tpu.memory_space<vmem>>, vector<16xf32>,
      %get3A_862 = arith.constant 0 : i32
      %get3A_863 = arith.index_cast %get3A_862 : i32 to index
      %get3A_864 = arith.constant 848 : index
      %get3A_865 = tpu.vector_load %arg6[%get3A_863, %get3A_864] {strides = array<i32>} : memref<2x1024xf32, #tpu.memory_space<vmem>>, vector<16xf32>,
      %swap3A_866 = arith.index_cast %add3A_121 : i32 to index
      %swap3A_867 = arith.constant 848 : index
      %swap3A_868 = tpu.vector_load %arg7[%swap3A_866, %swap3A_867] {strides = array<i32>} : memref<8x1024xf32, #tpu.memory_space<vmem>>, vector<16xf32>,
      tpu.vector_store %arg7[%swap3A_866, %swap3A_867], %get3A_865 {strides = array<i32>} : memref<8x1024xf32, #tpu.memory_space<vmem>>, vector<16xf32>,
      %get3A_869 = arith.constant 1 : i32
      %get3A_870 = arith.index_cast %get3A_869 : i32 to index
      %get3A_871 = arith.constant 848 : index
      %get3A_872 = tpu.vector_load %arg6[%get3A_870, %get3A_871] {strides = array<i32>} : memref<2x1024xf32, #tpu.memory_space<vmem>>, vector<16xf32>,
      %swap3A_873 = arith.index_cast %add3A_121 : i32 to index
      %swap3A_874 = arith.constant 848 : index
      %swap3A_875 = tpu.vector_load %arg8[%swap3A_873, %swap3A_874] {strides = array<i32>} : memref<8x1024xf32, #tpu.memory_space<vmem>>, vector<16xf32>,
      tpu.vector_store %arg8[%swap3A_873, %swap3A_874], %get3A_872 {strides = array<i32>} : memref<8x1024xf32, #tpu.memory_space<vmem>>, vector<16xf32>,
      %get3A_876 = arith.constant 0 : i32
      %get3A_877 = arith.index_cast %get3A_876 : i32 to index
      %get3A_878 = arith.constant 864 : index
      %get3A_879 = tpu.vector_load %arg6[%get3A_877, %get3A_878] {strides = array<i32>} : memref<2x1024xf32, #tpu.memory_space<vmem>>, vector<16xf32>,
      %swap3A_880 = arith.index_cast %add3A_121 : i32 to index
      %swap3A_881 = arith.constant 864 : index
      %swap3A_882 = tpu.vector_load %arg7[%swap3A_880, %swap3A_881] {strides = array<i32>} : memref<8x1024xf32, #tpu.memory_space<vmem>>, vector<16xf32>,
      tpu.vector_store %arg7[%swap3A_880, %swap3A_881], %get3A_879 {strides = array<i32>} : memref<8x1024xf32, #tpu.memory_space<vmem>>, vector<16xf32>,
      %get3A_883 = arith.constant 1 : i32
      %get3A_884 = arith.index_cast %get3A_883 : i32 to index
      %get3A_885 = arith.constant 864 : index
      %get3A_886 = tpu.vector_load %arg6[%get3A_884, %get3A_885] {strides = array<i32>} : memref<2x1024xf32, #tpu.memory_space<vmem>>, vector<16xf32>,
      %swap3A_887 = arith.index_cast %add3A_121 : i32 to index
      %swap3A_888 = arith.constant 864 : index
      %swap3A_889 = tpu.vector_load %arg8[%swap3A_887, %swap3A_888] {strides = array<i32>} : memref<8x1024xf32, #tpu.memory_space<vmem>>, vector<16xf32>,
      tpu.vector_store %arg8[%swap3A_887, %swap3A_888], %get3A_886 {strides = array<i32>} : memref<8x1024xf32, #tpu.memory_space<vmem>>, vector<16xf32>,
      %get3A_890 = arith.constant 0 : i32
      %get3A_891 = arith.index_cast %get3A_890 : i32 to index
      %get3A_892 = arith.constant 880 : index
      %get3A_893 = tpu.vector_load %arg6[%get3A_891, %get3A_892] {strides = array<i32>} : memref<2x1024xf32, #tpu.memory_space<vmem>>, vector<16xf32>,
      %swap3A_894 = arith.index_cast %add3A_121 : i32 to index
      %swap3A_895 = arith.constant 880 : index
      %swap3A_896 = tpu.vector_load %arg7[%swap3A_894, %swap3A_895] {strides = array<i32>} : memref<8x1024xf32, #tpu.memory_space<vmem>>, vector<16xf32>,
      tpu.vector_store %arg7[%swap3A_894, %swap3A_895], %get3A_893 {strides = array<i32>} : memref<8x1024xf32, #tpu.memory_space<vmem>>, vector<16xf32>,
      %get3A_897 = arith.constant 1 : i32
      %get3A_898 = arith.index_cast %get3A_897 : i32 to index
      %get3A_899 = arith.constant 880 : index
      %get3A_900 = tpu.vector_load %arg6[%get3A_898, %get3A_899] {strides = array<i32>} : memref<2x1024xf32, #tpu.memory_space<vmem>>, vector<16xf32>,
      %swap3A_901 = arith.index_cast %add3A_121 : i32 to index
      %swap3A_902 = arith.constant 880 : index
      %swap3A_903 = tpu.vector_load %arg8[%swap3A_901, %swap3A_902] {strides = array<i32>} : memref<8x1024xf32, #tpu.memory_space<vmem>>, vector<16xf32>,
      tpu.vector_store %arg8[%swap3A_901, %swap3A_902], %get3A_900 {strides = array<i32>} : memref<8x1024xf32, #tpu.memory_space<vmem>>, vector<16xf32>,
      %get3A_904 = arith.constant 0 : i32
      %get3A_905 = arith.index_cast %get3A_904 : i32 to index
      %get3A_906 = arith.constant 896 : index
      %get3A_907 = tpu.vector_load %arg6[%get3A_905, %get3A_906] {strides = array<i32>} : memref<2x1024xf32, #tpu.memory_space<vmem>>, vector<16xf32>,
      %swap3A_908 = arith.index_cast %add3A_121 : i32 to index
      %swap3A_909 = arith.constant 896 : index
      %swap3A_910 = tpu.vector_load %arg7[%swap3A_908, %swap3A_909] {strides = array<i32>} : memref<8x1024xf32, #tpu.memory_space<vmem>>, vector<16xf32>,
      tpu.vector_store %arg7[%swap3A_908, %swap3A_909], %get3A_907 {strides = array<i32>} : memref<8x1024xf32, #tpu.memory_space<vmem>>, vector<16xf32>,
      %get3A_911 = arith.constant 1 : i32
      %get3A_912 = arith.index_cast %get3A_911 : i32 to index
      %get3A_913 = arith.constant 896 : index
      %get3A_914 = tpu.vector_load %arg6[%get3A_912, %get3A_913] {strides = array<i32>} : memref<2x1024xf32, #tpu.memory_space<vmem>>, vector<16xf32>,
      %swap3A_915 = arith.index_cast %add3A_121 : i32 to index
      %swap3A_916 = arith.constant 896 : index
      %swap3A_917 = tpu.vector_load %arg8[%swap3A_915, %swap3A_916] {strides = array<i32>} : memref<8x1024xf32, #tpu.memory_space<vmem>>, vector<16xf32>,
      tpu.vector_store %arg8[%swap3A_915, %swap3A_916], %get3A_914 {strides = array<i32>} : memref<8x1024xf32, #tpu.memory_space<vmem>>, vector<16xf32>,
      %get3A_918 = arith.constant 0 : i32
      %get3A_919 = arith.index_cast %get3A_918 : i32 to index
      %get3A_920 = arith.constant 912 : index
      %get3A_921 = tpu.vector_load %arg6[%get3A_919, %get3A_920] {strides = array<i32>} : memref<2x1024xf32, #tpu.memory_space<vmem>>, vector<16xf32>,
      %swap3A_922 = arith.index_cast %add3A_121 : i32 to index
      %swap3A_923 = arith.constant 912 : index
      %swap3A_924 = tpu.vector_load %arg7[%swap3A_922, %swap3A_923] {strides = array<i32>} : memref<8x1024xf32, #tpu.memory_space<vmem>>, vector<16xf32>,
      tpu.vector_store %arg7[%swap3A_922, %swap3A_923], %get3A_921 {strides = array<i32>} : memref<8x1024xf32, #tpu.memory_space<vmem>>, vector<16xf32>,
      %get3A_925 = arith.constant 1 : i32
      %get3A_926 = arith.index_cast %get3A_925 : i32 to index
      %get3A_927 = arith.constant 912 : index
      %get3A_928 = tpu.vector_load %arg6[%get3A_926, %get3A_927] {strides = array<i32>} : memref<2x1024xf32, #tpu.memory_space<vmem>>, vector<16xf32>,
      %swap3A_929 = arith.index_cast %add3A_121 : i32 to index
      %swap3A_930 = arith.constant 912 : index
      %swap3A_931 = tpu.vector_load %arg8[%swap3A_929, %swap3A_930] {strides = array<i32>} : memref<8x1024xf32, #tpu.memory_space<vmem>>, vector<16xf32>,
      tpu.vector_store %arg8[%swap3A_929, %swap3A_930], %get3A_928 {strides = array<i32>} : memref<8x1024xf32, #tpu.memory_space<vmem>>, vector<16xf32>,
      %get3A_932 = arith.constant 0 : i32
      %get3A_933 = arith.index_cast %get3A_932 : i32 to index
      %get3A_934 = arith.constant 928 : index
      %get3A_935 = tpu.vector_load %arg6[%get3A_933, %get3A_934] {strides = array<i32>} : memref<2x1024xf32, #tpu.memory_space<vmem>>, vector<16xf32>,
      %swap3A_936 = arith.index_cast %add3A_121 : i32 to index
      %swap3A_937 = arith.constant 928 : index
      %swap3A_938 = tpu.vector_load %arg7[%swap3A_936, %swap3A_937] {strides = array<i32>} : memref<8x1024xf32, #tpu.memory_space<vmem>>, vector<16xf32>,
      tpu.vector_store %arg7[%swap3A_936, %swap3A_937], %get3A_935 {strides = array<i32>} : memref<8x1024xf32, #tpu.memory_space<vmem>>, vector<16xf32>,
      %get3A_939 = arith.constant 1 : i32
      %get3A_940 = arith.index_cast %get3A_939 : i32 to index
      %get3A_941 = arith.constant 928 : index
      %get3A_942 = tpu.vector_load %arg6[%get3A_940, %get3A_941] {strides = array<i32>} : memref<2x1024xf32, #tpu.memory_space<vmem>>, vector<16xf32>,
      %swap3A_943 = arith.index_cast %add3A_121 : i32 to index
      %swap3A_944 = arith.constant 928 : index
      %swap3A_945 = tpu.vector_load %arg8[%swap3A_943, %swap3A_944] {strides = array<i32>} : memref<8x1024xf32, #tpu.memory_space<vmem>>, vector<16xf32>,
      tpu.vector_store %arg8[%swap3A_943, %swap3A_944], %get3A_942 {strides = array<i32>} : memref<8x1024xf32, #tpu.memory_space<vmem>>, vector<16xf32>,
      %get3A_946 = arith.constant 0 : i32
      %get3A_947 = arith.index_cast %get3A_946 : i32 to index
      %get3A_948 = arith.constant 944 : index
      %get3A_949 = tpu.vector_load %arg6[%get3A_947, %get3A_948] {strides = array<i32>} : memref<2x1024xf32, #tpu.memory_space<vmem>>, vector<16xf32>,
      %swap3A_950 = arith.index_cast %add3A_121 : i32 to index
      %swap3A_951 = arith.constant 944 : index
      %swap3A_952 = tpu.vector_load %arg7[%swap3A_950, %swap3A_951] {strides = array<i32>} : memref<8x1024xf32, #tpu.memory_space<vmem>>, vector<16xf32>,
      tpu.vector_store %arg7[%swap3A_950, %swap3A_951], %get3A_949 {strides = array<i32>} : memref<8x1024xf32, #tpu.memory_space<vmem>>, vector<16xf32>,
      %get3A_953 = arith.constant 1 : i32
      %get3A_954 = arith.index_cast %get3A_953 : i32 to index
      %get3A_955 = arith.constant 944 : index
      %get3A_956 = tpu.vector_load %arg6[%get3A_954, %get3A_955] {strides = array<i32>} : memref<2x1024xf32, #tpu.memory_space<vmem>>, vector<16xf32>,
      %swap3A_957 = arith.index_cast %add3A_121 : i32 to index
      %swap3A_958 = arith.constant 944 : index
      %swap3A_959 = tpu.vector_load %arg8[%swap3A_957, %swap3A_958] {strides = array<i32>} : memref<8x1024xf32, #tpu.memory_space<vmem>>, vector<16xf32>,
      tpu.vector_store %arg8[%swap3A_957, %swap3A_958], %get3A_956 {strides = array<i32>} : memref<8x1024xf32, #tpu.memory_space<vmem>>, vector<16xf32>,
      %get3A_960 = arith.constant 0 : i32
      %get3A_961 = arith.index_cast %get3A_960 : i32 to index
      %get3A_962 = arith.constant 960 : index
      %get3A_963 = tpu.vector_load %arg6[%get3A_961, %get3A_962] {strides = array<i32>} : memref<2x1024xf32, #tpu.memory_space<vmem>>, vector<16xf32>,
      %swap3A_964 = arith.index_cast %add3A_121 : i32 to index
      %swap3A_965 = arith.constant 960 : index
      %swap3A_966 = tpu.vector_load %arg7[%swap3A_964, %swap3A_965] {strides = array<i32>} : memref<8x1024xf32, #tpu.memory_space<vmem>>, vector<16xf32>,
      tpu.vector_store %arg7[%swap3A_964, %swap3A_965], %get3A_963 {strides = array<i32>} : memref<8x1024xf32, #tpu.memory_space<vmem>>, vector<16xf32>,
      %get3A_967 = arith.constant 1 : i32
      %get3A_968 = arith.index_cast %get3A_967 : i32 to index
      %get3A_969 = arith.constant 960 : index
      %get3A_970 = tpu.vector_load %arg6[%get3A_968, %get3A_969] {strides = array<i32>} : memref<2x1024xf32, #tpu.memory_space<vmem>>, vector<16xf32>,
      %swap3A_971 = arith.index_cast %add3A_121 : i32 to index
      %swap3A_972 = arith.constant 960 : index
      %swap3A_973 = tpu.vector_load %arg8[%swap3A_971, %swap3A_972] {strides = array<i32>} : memref<8x1024xf32, #tpu.memory_space<vmem>>, vector<16xf32>,
      tpu.vector_store %arg8[%swap3A_971, %swap3A_972], %get3A_970 {strides = array<i32>} : memref<8x1024xf32, #tpu.memory_space<vmem>>, vector<16xf32>,
      %get3A_974 = arith.constant 0 : i32
      %get3A_975 = arith.index_cast %get3A_974 : i32 to index
      %get3A_976 = arith.constant 976 : index
      %get3A_977 = tpu.vector_load %arg6[%get3A_975, %get3A_976] {strides = array<i32>} : memref<2x1024xf32, #tpu.memory_space<vmem>>, vector<16xf32>,
      %swap3A_978 = arith.index_cast %add3A_121 : i32 to index
      %swap3A_979 = arith.constant 976 : index
      %swap3A_980 = tpu.vector_load %arg7[%swap3A_978, %swap3A_979] {strides = array<i32>} : memref<8x1024xf32, #tpu.memory_space<vmem>>, vector<16xf32>,
      tpu.vector_store %arg7[%swap3A_978, %swap3A_979], %get3A_977 {strides = array<i32>} : memref<8x1024xf32, #tpu.memory_space<vmem>>, vector<16xf32>,
      %get3A_981 = arith.constant 1 : i32
      %get3A_982 = arith.index_cast %get3A_981 : i32 to index
      %get3A_983 = arith.constant 976 : index
      %get3A_984 = tpu.vector_load %arg6[%get3A_982, %get3A_983] {strides = array<i32>} : memref<2x1024xf32, #tpu.memory_space<vmem>>, vector<16xf32>,
      %swap3A_985 = arith.index_cast %add3A_121 : i32 to index
      %swap3A_986 = arith.constant 976 : index
      %swap3A_987 = tpu.vector_load %arg8[%swap3A_985, %swap3A_986] {strides = array<i32>} : memref<8x1024xf32, #tpu.memory_space<vmem>>, vector<16xf32>,
      tpu.vector_store %arg8[%swap3A_985, %swap3A_986], %get3A_984 {strides = array<i32>} : memref<8x1024xf32, #tpu.memory_space<vmem>>, vector<16xf32>,
      %get3A_988 = arith.constant 0 : i32
      %get3A_989 = arith.index_cast %get3A_988 : i32 to index
      %get3A_990 = arith.constant 992 : index
      %get3A_991 = tpu.vector_load %arg6[%get3A_989, %get3A_990] {strides = array<i32>} : memref<2x1024xf32, #tpu.memory_space<vmem>>, vector<16xf32>,
      %swap3A_992 = arith.index_cast %add3A_121 : i32 to index
      %swap3A_993 = arith.constant 992 : index
      %swap3A_994 = tpu.vector_load %arg7[%swap3A_992, %swap3A_993] {strides = array<i32>} : memref<8x1024xf32, #tpu.memory_space<vmem>>, vector<16xf32>,
      tpu.vector_store %arg7[%swap3A_992, %swap3A_993], %get3A_991 {strides = array<i32>} : memref<8x1024xf32, #tpu.memory_space<vmem>>, vector<16xf32>,
      %get3A_995 = arith.constant 1 : i32
      %get3A_996 = arith.index_cast %get3A_995 : i32 to index
      %get3A_997 = arith.constant 992 : index
      %get3A_998 = tpu.vector_load %arg6[%get3A_996, %get3A_997] {strides = array<i32>} : memref<2x1024xf32, #tpu.memory_space<vmem>>, vector<16xf32>,
      %swap3A_999 = arith.index_cast %add3A_121 : i32 to index
      %swap3A_1000 = arith.constant 992 : index
      %swap3A_1001 = tpu.vector_load %arg8[%swap3A_999, %swap3A_1000] {strides = array<i32>} : memref<8x1024xf32, #tpu.memory_space<vmem>>, vector<16xf32>,
      tpu.vector_store %arg8[%swap3A_999, %swap3A_1000], %get3A_998 {strides = array<i32>} : memref<8x1024xf32, #tpu.memory_space<vmem>>, vector<16xf32>,
      %get3A_1002 = arith.constant 0 : i32
      %get3A_1003 = arith.index_cast %get3A_1002 : i32 to index
      %get3A_1004 = arith.constant 1008 : index
      %get3A_1005 = tpu.vector_load %arg6[%get3A_1003, %get3A_1004] {strides = array<i32>} : memref<2x1024xf32, #tpu.memory_space<vmem>>, vector<16xf32>,
      %swap3A_1006 = arith.index_cast %add3A_121 : i32 to index
      %swap3A_1007 = arith.constant 1008 : index
      %swap3A_1008 = tpu.vector_load %arg7[%swap3A_1006, %swap3A_1007] {strides = array<i32>} : memref<8x1024xf32, #tpu.memory_space<vmem>>, vector<16xf32>,
      tpu.vector_store %arg7[%swap3A_1006, %swap3A_1007], %get3A_1005 {strides = array<i32>} : memref<8x1024xf32, #tpu.memory_space<vmem>>, vector<16xf32>,
      %get3A_1009 = arith.constant 1 : i32
      %get3A_1010 = arith.index_cast %get3A_1009 : i32 to index
      %get3A_1011 = arith.constant 1008 : index
      %get3A_1012 = tpu.vector_load %arg6[%get3A_1010, %get3A_1011] {strides = array<i32>} : memref<2x1024xf32, #tpu.memory_space<vmem>>, vector<16xf32>,
      %swap3A_1013 = arith.index_cast %add3A_121 : i32 to index
      %swap3A_1014 = arith.constant 1008 : index
      %swap3A_1015 = tpu.vector_load %arg8[%swap3A_1013, %swap3A_1014] {strides = array<i32>} : memref<8x1024xf32, #tpu.memory_space<vmem>>, vector<16xf32>,
      tpu.vector_store %arg8[%swap3A_1013, %swap3A_1014], %get3A_1012 {strides = array<i32>} : memref<8x1024xf32, #tpu.memory_space<vmem>>, vector<16xf32>,
    }
    %scan3A_7 = arith.constant 8 : i32
    %dma_wait3A = tpu.memref_slice %arg2[%mul3A_2] : memref<32768xi32, #tpu.memory_space<hbm>> -> memref<1024xi32, #tpu.memory_space<hbm>>
    %dma_wait3A_8 = tpu.memref_slice %arg2[%mul3A_2] : memref<32768xi32, #tpu.memory_space<hbm>> -> memref<1024xi32, #tpu.memory_space<hbm>>
    tpu.wait_dma2 semaphore(%arg12 : memref<!tpu.dma_semaphore, #tpu.memory_space<semaphore_mem>>) src(%dma_wait3A_8 : memref<1024xi32, #tpu.memory_space<hbm>>) dst(%arg5 : memref<1024xi32, #tpu.memory_space<vmem>>)
    %broadcast_in_dim3A = arith.constant 15 : i32
    %broadcast_in_dim3A_9 = vector.broadcast %broadcast_in_dim3A : i32 to vector<16xi32>
    %broadcast_in_dim3A_10 = arith.constant 0 : i32
    %broadcast_in_dim3A_11 = vector.broadcast %broadcast_in_dim3A_10 : i32 to vector<16xi32>
    %scan3A_12 = arith.constant 0 : i32
    %scan3A_13 = arith.constant 64 : i32
    %scan3A_14 = arith.addi %scan3A_12, %scan3A_13 : i32
    %scan3A_15 = arith.constant 1 : i32
    %scan3A_16:2 = scf.for %scan3A_117 = %scan3A_12 to %scan3A_14 step %scan3A_15 iter_args(%scan3A_118 = %broadcast_in_dim3A_11, %scan3A_119 = %broadcast_in_dim3A_11) -> (vector<16xi32>, vector<16xi32>)  : i32 {
      %mul3A_120 = arith.constant 1 : i32
      %mul3A_121 = arith.muli %scan3A_117, %mul3A_120 : i32
      %add3A_122 = arith.constant 0 : i32
      %add3A_123 = arith.addi %add3A_122, %mul3A_121 : i32
      %mul3A_124 = arith.constant 16 : i32
      %mul3A_125 = arith.muli %add3A_123, %mul3A_124 : i32
      %get3A = arith.index_cast %mul3A_125 : i32 to index
      %get3A_126 = tpu.vector_load %arg5[%get3A] {strides = array<i32>} : memref<1024xi32, #tpu.memory_space<vmem>>, vector<16xi32>,
      %mul3A_127 = arith.constant 16 : i32
      %mul3A_128 = arith.muli %add3A_123, %mul3A_127 : i32
      %add3A_129 = arith.addi %mul3A_2, %mul3A_128 : i32
      %add3A_130 = vector.broadcast %add3A_129 : i32 to vector<16xi32>
      %add3A_131 = arith.addi %add3A_130, %iota3A : vector<16xi32>
      %eq3A = arith.constant 0 : i32
      %eq3A_132 = vector.broadcast %eq3A : i32 to vector<16xi32>
      %eq3A_133 = arith.cmpi eq, %get3A_126, %eq3A_132 : vector<16xi32>
      %jit3A = arith.constant 1 : i32
      %jit3A_134 = arith.constant 0 : i32
      %broadcast_in_dim3A_135 = vector.broadcast %jit3A : i32 to vector<16xi32>
      %broadcast_in_dim3A_136 = vector.broadcast %jit3A_134 : i32 to vector<16xi32>
      %select_n3A = arith.select %eq3A_133, %broadcast_in_dim3A_135, %broadcast_in_dim3A_136 : vector<16xi1>, vector<16xi32>
      %sub3A_137 = arith.constant 1 : i32
      %sub3A_138 = vector.broadcast %sub3A_137 : i32 to vector<16xi32>
      %sub3A_139 = arith.subi %iota3A, %sub3A_138 : vector<16xi32>
      %max3A = arith.constant 0 : i32
      %max3A_140 = vector.broadcast %max3A : i32 to vector<16xi32>
      %max3A_141 = arith.maxsi %sub3A_139, %max3A_140 : vector<16xi32>
      %broadcast_in_dim3A_142 = vector.shape_cast %max3A_141 : vector<16xi32> to vector<16x1xi32>
      %gather3A_143 = vector.shape_cast %broadcast_in_dim3A_142 : vector<16x1xi32> to vector<16xi32>
      %gather3A_144 = tpu.dynamic_gather %select_n3A[%gather3A_143] in [0] : vector<16xi32>, vector<16xi32> -> vector<16xi32>
      %ge3A_145 = arith.constant 1 : i32
      %ge3A_146 = vector.broadcast %ge3A_145 : i32 to vector<16xi32>
      %ge3A_147 = arith.cmpi sge, %iota3A, %ge3A_146 : vector<16xi32>
      %jit3A_148 = arith.constant 0 : i32
      %broadcast_in_dim3A_149 = vector.broadcast %jit3A_148 : i32 to vector<16xi32>
      %select_n3A_150 = arith.select %ge3A_147, %gather3A_144, %broadcast_in_dim3A_149 : vector<16xi1>, vector<16xi32>
      %add3A_151 = arith.addi %select_n3A, %select_n3A_150 : vector<16xi32>
      %sub3A_152 = arith.constant 2 : i32
      %sub3A_153 = vector.broadcast %sub3A_152 : i32 to vector<16xi32>
      %sub3A_154 = arith.subi %iota3A, %sub3A_153 : vector<16xi32>
      %max3A_155 = arith.constant 0 : i32
      %max3A_156 = vector.broadcast %max3A_155 : i32 to vector<16xi32>
      %max3A_157 = arith.maxsi %sub3A_154, %max3A_156 : vector<16xi32>
      %broadcast_in_dim3A_158 = vector.shape_cast %max3A_157 : vector<16xi32> to vector<16x1xi32>
      %gather3A_159 = vector.shape_cast %broadcast_in_dim3A_158 : vector<16x1xi32> to vector<16xi32>
      %gather3A_160 = tpu.dynamic_gather %add3A_151[%gather3A_159] in [0] : vector<16xi32>, vector<16xi32> -> vector<16xi32>
      %ge3A_161 = arith.constant 2 : i32
      %ge3A_162 = vector.broadcast %ge3A_161 : i32 to vector<16xi32>
      %ge3A_163 = arith.cmpi sge, %iota3A, %ge3A_162 : vector<16xi32>
      %jit3A_164 = arith.constant 0 : i32
      %broadcast_in_dim3A_165 = vector.broadcast %jit3A_164 : i32 to vector<16xi32>
      %select_n3A_166 = arith.select %ge3A_163, %gather3A_160, %broadcast_in_dim3A_165 : vector<16xi1>, vector<16xi32>
      %add3A_167 = arith.addi %add3A_151, %select_n3A_166 : vector<16xi32>
      %sub3A_168 = arith.constant 4 : i32
      %sub3A_169 = vector.broadcast %sub3A_168 : i32 to vector<16xi32>
      %sub3A_170 = arith.subi %iota3A, %sub3A_169 : vector<16xi32>
      %max3A_171 = arith.constant 0 : i32
      %max3A_172 = vector.broadcast %max3A_171 : i32 to vector<16xi32>
      %max3A_173 = arith.maxsi %sub3A_170, %max3A_172 : vector<16xi32>
      %broadcast_in_dim3A_174 = vector.shape_cast %max3A_173 : vector<16xi32> to vector<16x1xi32>
      %gather3A_175 = vector.shape_cast %broadcast_in_dim3A_174 : vector<16x1xi32> to vector<16xi32>
      %gather3A_176 = tpu.dynamic_gather %add3A_167[%gather3A_175] in [0] : vector<16xi32>, vector<16xi32> -> vector<16xi32>
      %ge3A_177 = arith.constant 4 : i32
      %ge3A_178 = vector.broadcast %ge3A_177 : i32 to vector<16xi32>
      %ge3A_179 = arith.cmpi sge, %iota3A, %ge3A_178 : vector<16xi32>
      %jit3A_180 = arith.constant 0 : i32
      %broadcast_in_dim3A_181 = vector.broadcast %jit3A_180 : i32 to vector<16xi32>
      %select_n3A_182 = arith.select %ge3A_179, %gather3A_176, %broadcast_in_dim3A_181 : vector<16xi1>, vector<16xi32>
      %add3A_183 = arith.addi %add3A_167, %select_n3A_182 : vector<16xi32>
      %sub3A_184 = arith.constant 8 : i32
      %sub3A_185 = vector.broadcast %sub3A_184 : i32 to vector<16xi32>
      %sub3A_186 = arith.subi %iota3A, %sub3A_185 : vector<16xi32>
      %max3A_187 = arith.constant 0 : i32
      %max3A_188 = vector.broadcast %max3A_187 : i32 to vector<16xi32>
      %max3A_189 = arith.maxsi %sub3A_186, %max3A_188 : vector<16xi32>
      %broadcast_in_dim3A_190 = vector.shape_cast %max3A_189 : vector<16xi32> to vector<16x1xi32>
      %gather3A_191 = vector.shape_cast %broadcast_in_dim3A_190 : vector<16x1xi32> to vector<16xi32>
      %gather3A_192 = tpu.dynamic_gather %add3A_183[%gather3A_191] in [0] : vector<16xi32>, vector<16xi32> -> vector<16xi32>
      %ge3A_193 = arith.constant 8 : i32
      %ge3A_194 = vector.broadcast %ge3A_193 : i32 to vector<16xi32>
      %ge3A_195 = arith.cmpi sge, %iota3A, %ge3A_194 : vector<16xi32>
      %jit3A_196 = arith.constant 0 : i32
      %broadcast_in_dim3A_197 = vector.broadcast %jit3A_196 : i32 to vector<16xi32>
      %select_n3A_198 = arith.select %ge3A_195, %gather3A_192, %broadcast_in_dim3A_197 : vector<16xi1>, vector<16xi32>
      %add3A_199 = arith.addi %add3A_183, %select_n3A_198 : vector<16xi32>
      %add3A_200 = arith.constant 1 : i32
      %add3A_201 = vector.broadcast %add3A_200 : i32 to vector<16xi32>
      %add3A_202 = arith.addi %iota3A, %add3A_201 : vector<16xi32>
      %sub3A_203 = arith.subi %add3A_202, %add3A_199 : vector<16xi32>
      %add3A_204 = arith.addi %scan3A_118, %add3A_199 : vector<16xi32>
      %sub3A_205 = arith.constant 1 : i32
      %sub3A_206 = vector.broadcast %sub3A_205 : i32 to vector<16xi32>
      %sub3A_207 = arith.subi %add3A_204, %sub3A_206 : vector<16xi32>
      %add3A_208 = arith.addi %scan3A_119, %sub3A_203 : vector<16xi32>
      %sub3A_209 = arith.constant 1 : i32
      %sub3A_210 = vector.broadcast %sub3A_209 : i32 to vector<16xi32>
      %sub3A_211 = arith.subi %add3A_208, %sub3A_210 : vector<16xi32>
      tpu.vector_store_idx %arg9[%sub3A_207], %add3A_131 masked %eq3A_133 : memref<1032xi32, #tpu.memory_space<vmem>>[vector<16xi32>], vector<16xi32>, vector<16xi1>
      %not3A = arith.constant dense<true> : vector<16xi1>
      %not3A_212 = arith.xori %eq3A_133, %not3A : vector<16xi1>
      tpu.vector_store_idx %arg10[%sub3A_211], %add3A_131 masked %not3A_212 : memref<1032xi32, #tpu.memory_space<vmem>>[vector<16xi32>], vector<16xi32>, vector<16xi1>
      %broadcast_in_dim3A_213 = vector.shape_cast %broadcast_in_dim3A_9 : vector<16xi32> to vector<16x1xi32>
      %gather3A_214 = vector.shape_cast %broadcast_in_dim3A_213 : vector<16x1xi32> to vector<16xi32>
      %gather3A_215 = tpu.dynamic_gather %add3A_199[%gather3A_214] in [0] : vector<16xi32>, vector<16xi32> -> vector<16xi32>
      %add3A_216 = arith.addi %scan3A_118, %gather3A_215 : vector<16xi32>
      %broadcast_in_dim3A_217 = vector.shape_cast %broadcast_in_dim3A_9 : vector<16xi32> to vector<16x1xi32>
      %gather3A_218 = vector.shape_cast %broadcast_in_dim3A_217 : vector<16x1xi32> to vector<16xi32>
      %gather3A_219 = tpu.dynamic_gather %sub3A_203[%gather3A_218] in [0] : vector<16xi32>, vector<16xi32> -> vector<16xi32>
      %add3A_220 = arith.addi %scan3A_119, %gather3A_219 : vector<16xi32>
      %slice3A_221 = vector.extract_strided_slice %scan3A_118 {offsets = [0], sizes = [1], strides = [1]} : vector<16xi32> to vector<1xi32>
      %squeeze3A_222 = vector.extract %slice3A_221[0] : i32 from vector<1xi32>
      %shift_right_arithmetic3A_223 = arith.constant 3 : i32
      %shift_right_arithmetic3A_224 = arith.shrsi %squeeze3A_222, %shift_right_arithmetic3A_223 : i32
      %slice3A_225 = vector.extract_strided_slice %add3A_216 {offsets = [0], sizes = [1], strides = [1]} : vector<16xi32> to vector<1xi32>
      %squeeze3A_226 = vector.extract %slice3A_225[0] : i32 from vector<1xi32>
      %shift_right_arithmetic3A_227 = arith.constant 3 : i32
      %shift_right_arithmetic3A_228 = arith.shrsi %squeeze3A_226, %shift_right_arithmetic3A_227 : i32
      %sub3A_229 = arith.subi %shift_right_arithmetic3A_228, %shift_right_arithmetic3A_224 : i32
      %sub3A_230 = arith.constant 1 : i32
      %sub3A_231 = arith.constant 1 : i32
      %sub3A_232 = arith.subi %sub3A_230, %sub3A_231 : i32
      %add3A_233 = arith.addi %sub3A_229, %sub3A_232 : i32
      %div3A_234 = arith.constant 1 : i32
      %div3A_235 = arith.divsi %add3A_233, %div3A_234 : i32
      %while3A_236 = arith.constant 1 : i32
      %while3A_237 = arith.constant 0 : i32
      %while3A_238 = arith.subi %div3A_235, %while3A_237 : i32
      %while3A_239 = arith.addi %while3A_237, %while3A_238 : i32
      %while3A_240 = arith.constant 1 : i32
      %while3A_241 = arith.divsi %while3A_238, %while3A_240 : i32
      %while3A_242 = arith.muli %while3A_241, %while3A_240 : i32
      %while3A_243 = arith.addi %while3A_237, %while3A_242 : i32
      %while3A_244 = arith.constant 1 : i32
      scf.for %while3A_271 = %while3A_237 to %while3A_243 step %while3A_244  : i32 {
        %mul3A_272 = arith.muli %while3A_271, %while3A_236 : i32
        %add3A_273 = arith.addi %shift_right_arithmetic3A_224, %mul3A_272 : i32
        %mul3A_274 = arith.constant 8 : i32
        %mul3A_275 = arith.muli %add3A_273, %mul3A_274 : i32
        %dma_start3A_276 = tpu.memref_slice %arg9[%mul3A_275] : memref<1032xi32, #tpu.memory_space<vmem>> -> memref<8xi32, #tpu.memory_space<vmem>>
        %dma_start3A_277 = arith.constant 0 : i32
        %dma_start3A_278 = arith.constant 0 : i32
        %dma_start3A_279 = tpu.memref_slice %arg4[%dma_start3A_277, %dma_start3A_278] : memref<32768x1024xf32, #tpu.memory_space<hbm>> -> memref<32768x1024xf32, #tpu.memory_space<hbm>>
        tpu.enqueue_indirect_dma source(%arg7 : memref<8x1024xf32, #tpu.memory_space<vmem>>) target(%dma_start3A_279 : memref<32768x1024xf32, #tpu.memory_space<hbm>>) offsets(%dma_start3A_276 : memref<8xi32, #tpu.memory_space<vmem>>) semaphore(%arg11 : memref<!tpu.dma_semaphore, #tpu.memory_space<semaphore_mem>>)
      }
      %while3A_245 = arith.constant 1 : i32
      scf.for %while3A_271 = %while3A_243 to %while3A_239 step %while3A_245  : i32 {
        %mul3A_272 = arith.muli %while3A_271, %while3A_236 : i32
        %add3A_273 = arith.addi %shift_right_arithmetic3A_224, %mul3A_272 : i32
        %mul3A_274 = arith.constant 8 : i32
        %mul3A_275 = arith.muli %add3A_273, %mul3A_274 : i32
        %dma_start3A_276 = tpu.memref_slice %arg9[%mul3A_275] : memref<1032xi32, #tpu.memory_space<vmem>> -> memref<8xi32, #tpu.memory_space<vmem>>
        %dma_start3A_277 = arith.constant 0 : i32
        %dma_start3A_278 = arith.constant 0 : i32
        %dma_start3A_279 = tpu.memref_slice %arg4[%dma_start3A_277, %dma_start3A_278] : memref<32768x1024xf32, #tpu.memory_space<hbm>> -> memref<32768x1024xf32, #tpu.memory_space<hbm>>
        tpu.enqueue_indirect_dma source(%arg7 : memref<8x1024xf32, #tpu.memory_space<vmem>>) target(%dma_start3A_279 : memref<32768x1024xf32, #tpu.memory_space<hbm>>) offsets(%dma_start3A_276 : memref<8xi32, #tpu.memory_space<vmem>>) semaphore(%arg11 : memref<!tpu.dma_semaphore, #tpu.memory_space<semaphore_mem>>)
      }
      %slice3A_246 = vector.extract_strided_slice %scan3A_119 {offsets = [0], sizes = [1], strides = [1]} : vector<16xi32> to vector<1xi32>
      %squeeze3A_247 = vector.extract %slice3A_246[0] : i32 from vector<1xi32>
      %shift_right_arithmetic3A_248 = arith.constant 3 : i32
      %shift_right_arithmetic3A_249 = arith.shrsi %squeeze3A_247, %shift_right_arithmetic3A_248 : i32
      %slice3A_250 = vector.extract_strided_slice %add3A_220 {offsets = [0], sizes = [1], strides = [1]} : vector<16xi32> to vector<1xi32>
      %squeeze3A_251 = vector.extract %slice3A_250[0] : i32 from vector<1xi32>
      %shift_right_arithmetic3A_252 = arith.constant 3 : i32
      %shift_right_arithmetic3A_253 = arith.shrsi %squeeze3A_251, %shift_right_arithmetic3A_252 : i32
      %sub3A_254 = arith.subi %shift_right_arithmetic3A_253, %shift_right_arithmetic3A_249 : i32
      %sub3A_255 = arith.constant 1 : i32
      %sub3A_256 = arith.constant 1 : i32
      %sub3A_257 = arith.subi %sub3A_255, %sub3A_256 : i32
      %add3A_258 = arith.addi %sub3A_254, %sub3A_257 : i32
      %div3A_259 = arith.constant 1 : i32
      %div3A_260 = arith.divsi %add3A_258, %div3A_259 : i32
      %while3A_261 = arith.constant 1 : i32
      %while3A_262 = arith.constant 0 : i32
      %while3A_263 = arith.subi %div3A_260, %while3A_262 : i32
      %while3A_264 = arith.addi %while3A_262, %while3A_263 : i32
      %while3A_265 = arith.constant 1 : i32
      %while3A_266 = arith.divsi %while3A_263, %while3A_265 : i32
      %while3A_267 = arith.muli %while3A_266, %while3A_265 : i32
      %while3A_268 = arith.addi %while3A_262, %while3A_267 : i32
      %while3A_269 = arith.constant 1 : i32
      scf.for %while3A_271 = %while3A_262 to %while3A_268 step %while3A_269  : i32 {
        %mul3A_272 = arith.muli %while3A_271, %while3A_261 : i32
        %add3A_273 = arith.addi %shift_right_arithmetic3A_249, %mul3A_272 : i32
        %mul3A_274 = arith.constant 8 : i32
        %mul3A_275 = arith.muli %add3A_273, %mul3A_274 : i32
        %dma_start3A_276 = tpu.memref_slice %arg10[%mul3A_275] : memref<1032xi32, #tpu.memory_space<vmem>> -> memref<8xi32, #tpu.memory_space<vmem>>
        %dma_start3A_277 = arith.constant 0 : i32
        %dma_start3A_278 = arith.constant 0 : i32
        %dma_start3A_279 = tpu.memref_slice %arg4[%dma_start3A_277, %dma_start3A_278] : memref<32768x1024xf32, #tpu.memory_space<hbm>> -> memref<32768x1024xf32, #tpu.memory_space<hbm>>
        tpu.enqueue_indirect_dma source(%arg8 : memref<8x1024xf32, #tpu.memory_space<vmem>>) target(%dma_start3A_279 : memref<32768x1024xf32, #tpu.memory_space<hbm>>) offsets(%dma_start3A_276 : memref<8xi32, #tpu.memory_space<vmem>>) semaphore(%arg11 : memref<!tpu.dma_semaphore, #tpu.memory_space<semaphore_mem>>)
      }
      %while3A_270 = arith.constant 1 : i32
      scf.for %while3A_271 = %while3A_268 to %while3A_264 step %while3A_270  : i32 {
        %mul3A_272 = arith.muli %while3A_271, %while3A_261 : i32
        %add3A_273 = arith.addi %shift_right_arithmetic3A_249, %mul3A_272 : i32
        %mul3A_274 = arith.constant 8 : i32
        %mul3A_275 = arith.muli %add3A_273, %mul3A_274 : i32
        %dma_start3A_276 = tpu.memref_slice %arg10[%mul3A_275] : memref<1032xi32, #tpu.memory_space<vmem>> -> memref<8xi32, #tpu.memory_space<vmem>>
        %dma_start3A_277 = arith.constant 0 : i32
        %dma_start3A_278 = arith.constant 0 : i32
        %dma_start3A_279 = tpu.memref_slice %arg4[%dma_start3A_277, %dma_start3A_278] : memref<32768x1024xf32, #tpu.memory_space<hbm>> -> memref<32768x1024xf32, #tpu.memory_space<hbm>>
        tpu.enqueue_indirect_dma source(%arg8 : memref<8x1024xf32, #tpu.memory_space<vmem>>) target(%dma_start3A_279 : memref<32768x1024xf32, #tpu.memory_space<hbm>>) offsets(%dma_start3A_276 : memref<8xi32, #tpu.memory_space<vmem>>) semaphore(%arg11 : memref<!tpu.dma_semaphore, #tpu.memory_space<semaphore_mem>>)
      }
      scf.yield %add3A_216, %add3A_220 : vector<16xi32>, vector<16xi32>
    }
    %scan3A_17 = arith.constant 64 : i32
    %slice3A = vector.extract_strided_slice %scan3A_16#0 {offsets = [0], sizes = [1], strides = [1]} : vector<16xi32> to vector<1xi32>
    %squeeze3A = vector.extract %slice3A[0] : i32 from vector<1xi32>
    %slice3A_18 = vector.extract_strided_slice %scan3A_16#1 {offsets = [0], sizes = [1], strides = [1]} : vector<16xi32> to vector<1xi32>
    %squeeze3A_19 = vector.extract %slice3A_18[0] : i32 from vector<1xi32>
    %shift_right_arithmetic3A = arith.constant 3 : i32
    %shift_right_arithmetic3A_20 = arith.shrsi %squeeze3A, %shift_right_arithmetic3A : i32
    %shift_left3A = arith.constant 3 : i32
    %shift_left3A_21 = arith.shli %shift_right_arithmetic3A_20, %shift_left3A : i32
    %broadcast_in_dim3A_22 = vector.broadcast %shift_left3A_21 : i32 to vector<16xi32>
    %gather3A = tpu.vector_load_idx %arg9[%broadcast_in_dim3A_22] : memref<1032xi32, #tpu.memory_space<vmem>>[vector<16xi32>], vector<16xi32>,
    %and3A = arith.constant 7 : i32
    %and3A_23 = arith.andi %squeeze3A, %and3A : i32
    %add3A_24 = arith.constant 0 : i32
    %add3A_25 = vector.broadcast %add3A_24 : i32 to vector<16xi32>
    %add3A_26 = arith.addi %iota3A, %add3A_25 : vector<16xi32>
    %add3A_27 = arith.addi %broadcast_in_dim3A_22, %add3A_26 : vector<16xi32>
    %ge3A = vector.broadcast %and3A_23 : i32 to vector<16xi32>
    %ge3A_28 = arith.cmpi sge, %add3A_26, %ge3A : vector<16xi32>
    %lt3A = arith.constant 8 : i32
    %lt3A_29 = vector.broadcast %lt3A : i32 to vector<16xi32>
    %lt3A_30 = arith.cmpi slt, %add3A_26, %lt3A_29 : vector<16xi32>
    %and3A_31 = arith.andi %ge3A_28, %lt3A_30 : vector<16xi1>
    tpu.vector_store_idx %arg9[%add3A_27], %gather3A masked %and3A_31 : memref<1032xi32, #tpu.memory_space<vmem>>[vector<16xi32>], vector<16xi32>, vector<16xi1>
    %shift_right_arithmetic3A_32 = arith.constant 3 : i32
    %shift_right_arithmetic3A_33 = arith.shrsi %squeeze3A_19, %shift_right_arithmetic3A_32 : i32
    %shift_left3A_34 = arith.constant 3 : i32
    %shift_left3A_35 = arith.shli %shift_right_arithmetic3A_33, %shift_left3A_34 : i32
    %broadcast_in_dim3A_36 = vector.broadcast %shift_left3A_35 : i32 to vector<16xi32>
    %gather3A_37 = tpu.vector_load_idx %arg10[%broadcast_in_dim3A_36] : memref<1032xi32, #tpu.memory_space<vmem>>[vector<16xi32>], vector<16xi32>,
    %and3A_38 = arith.constant 7 : i32
    %and3A_39 = arith.andi %squeeze3A_19, %and3A_38 : i32
    %add3A_40 = arith.constant 0 : i32
    %add3A_41 = vector.broadcast %add3A_40 : i32 to vector<16xi32>
    %add3A_42 = arith.addi %iota3A, %add3A_41 : vector<16xi32>
    %add3A_43 = arith.addi %broadcast_in_dim3A_36, %add3A_42 : vector<16xi32>
    %ge3A_44 = vector.broadcast %and3A_39 : i32 to vector<16xi32>
    %ge3A_45 = arith.cmpi sge, %add3A_42, %ge3A_44 : vector<16xi32>
    %lt3A_46 = arith.constant 8 : i32
    %lt3A_47 = vector.broadcast %lt3A_46 : i32 to vector<16xi32>
    %lt3A_48 = arith.cmpi slt, %add3A_42, %lt3A_47 : vector<16xi32>
    %and3A_49 = arith.andi %ge3A_45, %lt3A_48 : vector<16xi1>
    tpu.vector_store_idx %arg10[%add3A_43], %gather3A_37 masked %and3A_49 : memref<1032xi32, #tpu.memory_space<vmem>>[vector<16xi32>], vector<16xi32>, vector<16xi1>
    %add3A_50 = arith.constant 8 : i32
    %add3A_51 = arith.addi %squeeze3A, %add3A_50 : i32
    %sub3A = arith.constant 1 : i32
    %sub3A_52 = arith.subi %add3A_51, %sub3A : i32
    %shift_right_arithmetic3A_53 = arith.constant 3 : i32
    %shift_right_arithmetic3A_54 = arith.shrsi %sub3A_52, %shift_right_arithmetic3A_53 : i32
    %add3A_55 = arith.constant 8 : i32
    %add3A_56 = arith.addi %squeeze3A_19, %add3A_55 : i32
    %sub3A_57 = arith.constant 1 : i32
    %sub3A_58 = arith.subi %add3A_56, %sub3A_57 : i32
    %shift_right_arithmetic3A_59 = arith.constant 3 : i32
    %shift_right_arithmetic3A_60 = arith.shrsi %sub3A_58, %shift_right_arithmetic3A_59 : i32
    %shift_right_arithmetic3A_61 = arith.constant 3 : i32
    %shift_right_arithmetic3A_62 = arith.shrsi %squeeze3A, %shift_right_arithmetic3A_61 : i32
    %sub3A_63 = arith.subi %shift_right_arithmetic3A_54, %shift_right_arithmetic3A_62 : i32
    %sub3A_64 = arith.constant 1 : i32
    %sub3A_65 = arith.constant 1 : i32
    %sub3A_66 = arith.subi %sub3A_64, %sub3A_65 : i32
    %add3A_67 = arith.addi %sub3A_63, %sub3A_66 : i32
    %div3A = arith.constant 1 : i32
    %div3A_68 = arith.divsi %add3A_67, %div3A : i32
    %while3A = arith.constant 1 : i32
    %while3A_69 = arith.constant 0 : i32
    %while3A_70 = arith.subi %div3A_68, %while3A_69 : i32
    %while3A_71 = arith.addi %while3A_69, %while3A_70 : i32
    %while3A_72 = arith.constant 1 : i32
    %while3A_73 = arith.divsi %while3A_70, %while3A_72 : i32
    %while3A_74 = arith.muli %while3A_73, %while3A_72 : i32
    %while3A_75 = arith.addi %while3A_69, %while3A_74 : i32
    %while3A_76 = arith.constant 1 : i32
    scf.for %while3A_117 = %while3A_69 to %while3A_75 step %while3A_76  : i32 {
      %mul3A_118 = arith.muli %while3A_117, %while3A : i32
      %add3A_119 = arith.addi %shift_right_arithmetic3A_62, %mul3A_118 : i32
      %mul3A_120 = arith.constant 8 : i32
      %mul3A_121 = arith.muli %add3A_119, %mul3A_120 : i32
      %dma_start3A_122 = tpu.memref_slice %arg9[%mul3A_121] : memref<1032xi32, #tpu.memory_space<vmem>> -> memref<8xi32, #tpu.memory_space<vmem>>
      %dma_start3A_123 = arith.constant 0 : i32
      %dma_start3A_124 = arith.constant 0 : i32
      %dma_start3A_125 = tpu.memref_slice %arg4[%dma_start3A_123, %dma_start3A_124] : memref<32768x1024xf32, #tpu.memory_space<hbm>> -> memref<32768x1024xf32, #tpu.memory_space<hbm>>
      tpu.enqueue_indirect_dma source(%arg7 : memref<8x1024xf32, #tpu.memory_space<vmem>>) target(%dma_start3A_125 : memref<32768x1024xf32, #tpu.memory_space<hbm>>) offsets(%dma_start3A_122 : memref<8xi32, #tpu.memory_space<vmem>>) semaphore(%arg11 : memref<!tpu.dma_semaphore, #tpu.memory_space<semaphore_mem>>)
    }
    %while3A_77 = arith.constant 1 : i32
    scf.for %while3A_117 = %while3A_75 to %while3A_71 step %while3A_77  : i32 {
      %mul3A_118 = arith.muli %while3A_117, %while3A : i32
      %add3A_119 = arith.addi %shift_right_arithmetic3A_62, %mul3A_118 : i32
      %mul3A_120 = arith.constant 8 : i32
      %mul3A_121 = arith.muli %add3A_119, %mul3A_120 : i32
      %dma_start3A_122 = tpu.memref_slice %arg9[%mul3A_121] : memref<1032xi32, #tpu.memory_space<vmem>> -> memref<8xi32, #tpu.memory_space<vmem>>
      %dma_start3A_123 = arith.constant 0 : i32
      %dma_start3A_124 = arith.constant 0 : i32
      %dma_start3A_125 = tpu.memref_slice %arg4[%dma_start3A_123, %dma_start3A_124] : memref<32768x1024xf32, #tpu.memory_space<hbm>> -> memref<32768x1024xf32, #tpu.memory_space<hbm>>
      tpu.enqueue_indirect_dma source(%arg7 : memref<8x1024xf32, #tpu.memory_space<vmem>>) target(%dma_start3A_125 : memref<32768x1024xf32, #tpu.memory_space<hbm>>) offsets(%dma_start3A_122 : memref<8xi32, #tpu.memory_space<vmem>>) semaphore(%arg11 : memref<!tpu.dma_semaphore, #tpu.memory_space<semaphore_mem>>)
    }
    %shift_right_arithmetic3A_78 = arith.constant 3 : i32
    %shift_right_arithmetic3A_79 = arith.shrsi %squeeze3A_19, %shift_right_arithmetic3A_78 : i32
    %sub3A_80 = arith.subi %shift_right_arithmetic3A_60, %shift_right_arithmetic3A_79 : i32
    %sub3A_81 = arith.constant 1 : i32
    %sub3A_82 = arith.constant 1 : i32
    %sub3A_83 = arith.subi %sub3A_81, %sub3A_82 : i32
    %add3A_84 = arith.addi %sub3A_80, %sub3A_83 : i32
    %div3A_85 = arith.constant 1 : i32
    %div3A_86 = arith.divsi %add3A_84, %div3A_85 : i32
    %while3A_87 = arith.constant 1 : i32
    %while3A_88 = arith.constant 0 : i32
    %while3A_89 = arith.subi %div3A_86, %while3A_88 : i32
    %while3A_90 = arith.addi %while3A_88, %while3A_89 : i32
    %while3A_91 = arith.constant 1 : i32
    %while3A_92 = arith.divsi %while3A_89, %while3A_91 : i32
    %while3A_93 = arith.muli %while3A_92, %while3A_91 : i32
    %while3A_94 = arith.addi %while3A_88, %while3A_93 : i32
    %while3A_95 = arith.constant 1 : i32
    scf.for %while3A_117 = %while3A_88 to %while3A_94 step %while3A_95  : i32 {
      %mul3A_118 = arith.muli %while3A_117, %while3A_87 : i32
      %add3A_119 = arith.addi %shift_right_arithmetic3A_79, %mul3A_118 : i32
      %mul3A_120 = arith.constant 8 : i32
      %mul3A_121 = arith.muli %add3A_119, %mul3A_120 : i32
      %dma_start3A_122 = tpu.memref_slice %arg10[%mul3A_121] : memref<1032xi32, #tpu.memory_space<vmem>> -> memref<8xi32, #tpu.memory_space<vmem>>
      %dma_start3A_123 = arith.constant 0 : i32
      %dma_start3A_124 = arith.constant 0 : i32
      %dma_start3A_125 = tpu.memref_slice %arg4[%dma_start3A_123, %dma_start3A_124] : memref<32768x1024xf32, #tpu.memory_space<hbm>> -> memref<32768x1024xf32, #tpu.memory_space<hbm>>
      tpu.enqueue_indirect_dma source(%arg8 : memref<8x1024xf32, #tpu.memory_space<vmem>>) target(%dma_start3A_125 : memref<32768x1024xf32, #tpu.memory_space<hbm>>) offsets(%dma_start3A_122 : memref<8xi32, #tpu.memory_space<vmem>>) semaphore(%arg11 : memref<!tpu.dma_semaphore, #tpu.memory_space<semaphore_mem>>)
    }
    %while3A_96 = arith.constant 1 : i32
    scf.for %while3A_117 = %while3A_94 to %while3A_90 step %while3A_96  : i32 {
      %mul3A_118 = arith.muli %while3A_117, %while3A_87 : i32
      %add3A_119 = arith.addi %shift_right_arithmetic3A_79, %mul3A_118 : i32
      %mul3A_120 = arith.constant 8 : i32
      %mul3A_121 = arith.muli %add3A_119, %mul3A_120 : i32
      %dma_start3A_122 = tpu.memref_slice %arg10[%mul3A_121] : memref<1032xi32, #tpu.memory_space<vmem>> -> memref<8xi32, #tpu.memory_space<vmem>>
      %dma_start3A_123 = arith.constant 0 : i32
      %dma_start3A_124 = arith.constant 0 : i32
      %dma_start3A_125 = tpu.memref_slice %arg4[%dma_start3A_123, %dma_start3A_124] : memref<32768x1024xf32, #tpu.memory_space<hbm>> -> memref<32768x1024xf32, #tpu.memory_space<hbm>>
      tpu.enqueue_indirect_dma source(%arg8 : memref<8x1024xf32, #tpu.memory_space<vmem>>) target(%dma_start3A_125 : memref<32768x1024xf32, #tpu.memory_space<hbm>>) offsets(%dma_start3A_122 : memref<8xi32, #tpu.memory_space<vmem>>) semaphore(%arg11 : memref<!tpu.dma_semaphore, #tpu.memory_space<semaphore_mem>>)
    }
    %add3A_97 = arith.addi %shift_right_arithmetic3A_54, %shift_right_arithmetic3A_60 : i32
    %sub3A_98 = arith.constant 0 : i32
    %sub3A_99 = arith.subi %add3A_97, %sub3A_98 : i32
    %sub3A_100 = arith.constant 1 : i32
    %sub3A_101 = arith.constant 1 : i32
    %sub3A_102 = arith.subi %sub3A_100, %sub3A_101 : i32
    %add3A_103 = arith.addi %sub3A_99, %sub3A_102 : i32
    %div3A_104 = arith.constant 1 : i32
    %div3A_105 = arith.divsi %add3A_103, %div3A_104 : i32
    %while3A_106 = arith.constant 1 : i32
    %while3A_107 = arith.constant 0 : i32
    %while3A_108 = arith.constant 0 : i32
    %while3A_109 = arith.subi %div3A_105, %while3A_108 : i32
    %while3A_110 = arith.addi %while3A_108, %while3A_109 : i32
    %while3A_111 = arith.constant 1 : i32
    %while3A_112 = arith.divsi %while3A_109, %while3A_111 : i32
    %while3A_113 = arith.muli %while3A_112, %while3A_111 : i32
    %while3A_114 = arith.addi %while3A_108, %while3A_113 : i32
    %while3A_115 = arith.constant 1 : i32
    scf.for %while3A_117 = %while3A_108 to %while3A_114 step %while3A_115  : i32 {
      %mul3A_118 = arith.muli %while3A_117, %while3A_106 : i32
      %add3A_119 = arith.addi %while3A_107, %mul3A_118 : i32
      %dma_wait3A_120 = arith.constant 0 : i32
      %dma_wait3A_121 = tpu.memref_slice %arg9[%dma_wait3A_120] : memref<1032xi32, #tpu.memory_space<vmem>> -> memref<8xi32, #tpu.memory_space<vmem>>
      %dma_wait3A_122 = arith.constant 0 : i32
      %dma_wait3A_123 = arith.constant 0 : i32
      %dma_wait3A_124 = tpu.memref_slice %arg4[%dma_wait3A_122, %dma_wait3A_123] : memref<32768x1024xf32, #tpu.memory_space<hbm>> -> memref<32768x1024xf32, #tpu.memory_space<hbm>>
      tpu.wait_indirect_dma semaphore(%arg11 : memref<!tpu.dma_semaphore, #tpu.memory_space<semaphore_mem>>) src(%arg7 : memref<8x1024xf32, #tpu.memory_space<vmem>>) dst(%dma_wait3A_124 : memref<32768x1024xf32, #tpu.memory_space<hbm>>)
    }
    %while3A_116 = arith.constant 1 : i32
    scf.for %while3A_117 = %while3A_114 to %while3A_110 step %while3A_116  : i32 {
      %mul3A_118 = arith.muli %while3A_117, %while3A_106 : i32
      %add3A_119 = arith.addi %while3A_107, %mul3A_118 : i32
      %dma_wait3A_120 = arith.constant 0 : i32
      %dma_wait3A_121 = tpu.memref_slice %arg9[%dma_wait3A_120] : memref<1032xi32, #tpu.memory_space<vmem>> -> memref<8xi32, #tpu.memory_space<vmem>>
      %dma_wait3A_122 = arith.constant 0 : i32
      %dma_wait3A_123 = arith.constant 0 : i32
      %dma_wait3A_124 = tpu.memref_slice %arg4[%dma_wait3A_122, %dma_wait3A_123] : memref<32768x1024xf32, #tpu.memory_space<hbm>> -> memref<32768x1024xf32, #tpu.memory_space<hbm>>
      tpu.wait_indirect_dma semaphore(%arg11 : memref<!tpu.dma_semaphore, #tpu.memory_space<semaphore_mem>>) src(%arg7 : memref<8x1024xf32, #tpu.memory_space<vmem>>) dst(%dma_wait3A_124 : memref<32768x1024xf32, #tpu.memory_space<hbm>>)
    }
    return
  }
}

</mosaic_0001>

<sc_bundles>
// kernel: _seg_embed.3.cloned.1.call-start
scs
__scs_entry_jumppad:
0x0: {  	(pc) =	sbr.rel $0x88, $3  }
0x1: {  	(tag) =	ssettag $0x0;
	lr =	simm.s32 $0x1  }
0x2: {  	[smem:$0x3F9F] =	sst lr;
	_ =	strace $0xD0000000  }
0x3: {  	_ = 	snop  }
0x4: {  	_ = 	snop  }
0x5: {  	_ = 	snop  }
0x6: {  	_ = 	snop  }
0x7: {  	_ = 	snop  }
__scs_overlays_trampoline_lowered:
0x8: {  	[smem:$0x3FAE] =	sst s0  }
0x9: {  	[smem:$0x3FAF] =	sst s1  }
0xa: {  	[smem:$0x3FB0] =	sst s2  }
0xb: {  	[smem:$0x3FB1] =	sst s3  }
0xc: {  	[smem:$0x3FB2] =	sst s4  }
0xd: {  	[smem:$0x3FB3] =	sst s5  }
0xe: {  	[smem:$0x3FB4] =	sst s6  }
0xf: {  	[smem:$0x3FB5] =	sst s7  }
0x10: {  	[smem:$0x3FB6] =	sst s8  }
0x11: {  	[smem:$0x3FB7] =	sst s9;
	s0 =	simm.s32 @!p0 $0x0  }
0x12: {  	s1 =	sld [smem:$0x3F9D];
	s0 =	simm.s32 @p0 $0x1  }
0x13: {  	[smem:$0x3FB8] =	sst s0;
	s0 =	simm.s32 @!p1 $0x0  }
0x14: {  	s2 =	sld [smem:$0x3F9C];
	s0 =	simm.s32 @p1 $0x1  }
0x15: {  	[smem:$0x3FB9] =	sst s0;
	s0 =	simm.s32 @!p2 $0x0  }
0x16: {  	s3 =	sld [smem:$0x3FDB];
	s0 =	simm.s32 @p2 $0x1  }
0x17: {  	s4 =	simm.s32 $0x1BF5;
	[smem:$0x3FBB] =	sst s0  }
0x18: {  	s0 =	sld [smem:$0x3F9E];
	_ =	swait.ge [sflag:s4], $0x0  }
0x19: {  	s7 =	sld [smem:$0x3F9F]  }
0x1a: {  	s8 =	sadd.s32 $0xFFFFE003, lr  }
0x1b: {  	s9 =	sadd.s32 $0xFFFFFEF7, lr;
	s5 =	simm.s32 $0xFFFFFFFF;
	p2 =	slt.u32 s8, $0xFFFFF086  }
0x1c: {  	p1 =	slt.u32 s9, $0xF7A;
	s5 =	simm.s32 @!p2 $0x0  }
0x1d: {  	s5 =	simm.s32 @p1 $0x1;
	p0 =	seq.s32 s7, s2  }
0x1e: {  	s7 =	smul.u32 @!p0 $0xF7A, s2;
	p2 =	seq.s32 @!p0 s5, $0x0  }
0x1f: {  	s9 =	smul.u32 $0xF7A, s1;
	s8 =	simm.s32 @!p0 $0x1BF5;
	p2 =	por !p2, p0  }
0x20: {  	[sflag:s8] =	ssyncset.s32 @!p0 $0xFFFFF086;
	s6 =	sadd.s32 @!p0 s3, s7;
	s7 =	simm.s32 @!p0 $0x108  }
0x21: {  	s3 =	sadd.s32 s3, s9;
	s6 =	sadd.s32 @!p0 $0x88, s6;
	s7 =	simm.s32 @p2 $0x1082  }
0x22: {  	[simem:s7], [sflag:s8] =	dma.local @!p0 [hbm:s6], $0xF7A  }
0x23: {  	s9 =	sor.u32 $0xD0000000, s2;
	s6 =	simm.s32 $0x108;
	_ =	swait.ge @!p0 [sflag:s8], $0x0  }
0x24: {  	s3 =	sadd.s32 $0x88, s3;
	s6 =	simm.s32 @!p1 $0x1082;
	[sflag:s4] =	ssyncset.s32 $0xFFFFF086  }
0x25: {  	[simem:s6], [sflag:s4] =	dma.local [hbm:s3], $0xF7A  }
0x26: {  	[smem:$0x3F9F] =	sst s1;
	(tag) =	ssettag s2;
	_ =	strace s9  }
0x27: {  	s1 =	sld [smem:$0x3FAF]  }
0x28: {  	s2 =	sld [smem:$0x3FB0]  }
0x29: {  	s4 =	sld [smem:$0x3FB2]  }
0x2a: {  	p0 =	seq.s32 s5, $0x0;
	s5 =	sld [smem:$0x3FB3]  }
0x2b: {  	s6 =	sld [smem:$0x3FB4]  }
0x2c: {  	s7 =	sld [smem:$0x3FB5]  }
0x2d: {  	s3 =	simm.s32 $0x108;
	s8 =	sld [smem:$0x3FB6]  }
0x2e: {  	s3 =	simm.s32 @!p0 $0x1082;
	s9 =	sld [smem:$0x3FB7]  }
0x2f: {  	lr =	sadd.s32 s0, s3;
	s0 =	sld [smem:$0x3FAE]  }
0x30: {  	s3 =	sld [smem:$0x3FB1]  }
0x31: {  	[smem:$0x3FBA] =	sst s10  }
0x32: {  	s10 =	sld [smem:$0x3FB8];
	_ =	sdelay $0x3  }
0x33: {  	p0 =	seq.s32 s10, $0x1;
	s10 =	sld [smem:$0x3FBA];
	_ =	sdelay $0x3  }
0x34: {  	[smem:$0x3FBA] =	sst s10  }
0x35: {  	s10 =	sld [smem:$0x3FB9];
	_ =	sdelay $0x3  }
0x36: {  	p1 =	seq.s32 s10, $0x1;
	s10 =	sld [smem:$0x3FBA];
	_ =	sdelay $0x3  }
0x37: {  	[smem:$0x3FBA] =	sst s10  }
0x38: {  	s10 =	sld [smem:$0x3FBB]  }
0x39: {  	_ = 	snop;
	(pc) =	sbr.ind lr, $3  }
0x3a: {  	_ = 	snop  }
0x3b: {  	_ = 	snop  }
0x3c: {  	p2 =	seq.s32 s10, $0x1;
	s10 =	sld [smem:$0x3FBA]  }
0x3d: {  	_ =	shalt  }
0x3e: {  	_ =	shalt  }
0x3f: {  	_ =	shalt  }
0x40: {  	_ =	shalt  }
0x41: {  	_ =	shalt  }
0x42: {  	_ =	shalt  }
0x43: {  	_ =	shalt  }
0x44: {  	_ =	shalt  }
0x45: {  	_ =	shalt  }
0x46: {  	_ =	shalt  }
0x47: {  	_ =	shalt  }
0x48: {  	_ =	shalt  }
0x49: {  	_ =	shalt  }
0x4a: {  	_ =	shalt  }
0x4b: {  	_ =	shalt  }
0x4c: {  	_ =	shalt  }
0x4d: {  	_ =	shalt  }
0x4e: {  	_ =	shalt  }
0x4f: {  	_ =	shalt  }
0x50: {  	_ =	shalt  }
0x51: {  	_ =	shalt  }
0x52: {  	_ =	shalt  }
0x53: {  	_ =	shalt  }
0x54: {  	_ =	shalt  }
0x55: {  	_ =	shalt  }
0x56: {  	_ =	shalt  }
0x57: {  	_ =	shalt  }
0x58: {  	_ =	shalt  }
0x59: {  	_ =	shalt  }
0x5a: {  	_ =	shalt  }
0x5b: {  	_ =	shalt  }
0x5c: {  	_ =	shalt  }
0x5d: {  	_ =	shalt  }
0x5e: {  	_ =	shalt  }
0x5f: {  	_ =	shalt  }
0x60: {  	_ =	shalt  }
0x61: {  	_ =	shalt  }
0x62: {  	_ =	shalt  }
0x63: {  	_ =	shalt  }
0x64: {  	_ =	shalt  }
0x65: {  	_ =	shalt  }
0x66: {  	_ =	shalt  }
0x67: {  	_ =	shalt  }
0x68: {  	_ =	shalt  }
0x69: {  	_ =	shalt  }
0x6a: {  	_ =	shalt  }
0x6b: {  	_ =	shalt  }
0x6c: {  	_ =	shalt  }
0x6d: {  	_ =	shalt  }
0x6e: {  	_ =	shalt  }
0x6f: {  	_ =	shalt  }
0x70: {  	_ =	shalt  }
0x71: {  	_ =	shalt  }
0x72: {  	_ =	shalt  }
0x73: {  	_ =	shalt  }
0x74: {  	_ =	shalt  }
0x75: {  	_ =	shalt  }
0x76: {  	_ =	shalt  }
0x77: {  	_ =	shalt  }
0x78: {  	_ =	shalt  }
0x79: {  	_ =	shalt  }
0x7a: {  	_ =	shalt  }
0x7b: {  	_ =	shalt  }
0x7c: {  	_ =	shalt  }
0x7d: {  	_ =	shalt  }
0x7e: {  	_ =	shalt  }
0x7f: {  	_ =	shalt  }
0x80: {  	_ =	shalt  }
0x81: {  	_ =	shalt  }
0x82: {  	_ =	shalt  }
0x83: {  	_ =	shalt  }
0x84: {  	_ =	shalt  }
0x85: {  	_ =	shalt  }
0x86: {  	_ =	shalt  }
0x87: {  	_ =	shalt  }
.Lfunc_end0:
.L_simem_size_0:
called_computation_lowered:
.L_overlay_start_0:
0x88: {  	s2 =	sld [smem:$0x3FD9]  }
0x89: {  	s3 =	sld [smem:$0x3FFE];
	_ =	sdelay $0x1  }
0x8a: {  	s1 =	srdreg.scid  }
0x8b: {  	s0 =	sand.u32 $0x1, s1  }
0x8c: {  	s18 =	sshll.u32 s0, $0xA;
	s2 =	sadd.s32 s3, s2  }
0x8d: {  	s2 =	sadd.s32 s2, s18  }
0x8e: {  	[smem:$0x3FC6] =	sst s2  }
0x8f: {  	_ = 	snop  }
0x90: {  	s2 =	sld [smem:$0x3FC9]  }
0x91: {  	s19 =	sld [smem:$0x3FC8]  }
0x92: {  	s4 =	sld [smem:$0x3FD0];
	(tm) =	ssettm $0x1  }
0x93: {  	s5 =	sld [smem:$0x3FFB];
	_ =	sdelay $0x3  }
0x94: {  	_ =	strace s5  }
0x95: {  	s5 =	sld [smem:$0x3FFC];
	_ =	sdelay $0x3  }
0x96: {  	_ =	strace s5  }
0x97: {  	s5 =	sld [smem:$0x3FFD];
	_ =	sdelay $0x3  }
0x98: {  	_ =	strace s5  }
0x99: {  	_ =	strace $0x8FFFFFFF  }
0x9a: {  	s20 =	sld [smem:$0x3FDB];
	_ =	sdelay $0x1  }
0x9b: {  	s6 =	simm.s32 $_scs_section_size  }
0x9c: {  	s7 =	simm.s32 $_size__tile_overlayer_lowered;
	s8 =	simm.s32 $_tile_overlayer_lowered  }
0x9d: {  	s23 =	simm.s32 $0x1BFF;
	s22 =	sshll.u32 s8, $0x1;
	s5 =	sadd.s32 s6, s20  }
0x9e: {  	s9 =	simm.s32 $0x0;
	s21 =	sshll.u32 s7, $0x1;
	s7 =	sadd.s32 s22, s5  }
0x9f: {  	[timem:s9], [sflag:s23] =	dma.local [hbm:s7], s21  }
0xa0: {  	_ =	swait.ge [sflag:s23], s21  }
0xa1: {  	s6 =	ssub.s32 $0x0, s21;
	[sflag:s23] =	ssyncset.done $0x0  }
0xa2: {  	[sflag:s23] =	ssyncadd.s32 s6;
	_ =	sdelay $0x1  }
0xa3: {  	s24 =	simm.s32 $0x1B8B  }
0xa4: {  	_ =	swait.ge [sflag:s24], $0x1  }
0xa5: {  	[sflag:s24] =	ssyncset.done $0x0  }
0xa6: {  	s25 =	simm.s32 $0x1B8E;
	[sflag:s24] =	ssyncadd.s32 $0xFFFFFFFF  }
0xa7: {  	s26 =	simm.s32 $execute0_lowered;
	[smem:$0x3FD2] =	sst s25  }
0xa8: {  	s6 =	sshll.u32 s26, $0x1;
	_ =	strace $0x80000046;
	[dreg:$0x1] =	wrdreg $0xFFFFFFFF  }
0xa9: {  	s28 =	simm.s32 $_size_execute0_lowered;
	s5 =	sadd.s32 s5, s6;
	[dreg:$0x0] =	wrdreg $0x0  }
0xaa: {  	s6 =	sshll.u32 s28, $0x1;
	[dreg:$0x2] =	wrdreg s5  }
0xab: {  	[dreg:$0x3] =	wrdreg s6  }
0xac: {  	[dreg:$0x4] =	wrdreg $0xC0  }
0xad: {  	_ =	task [dreg:s9], $0x5FFFF  }
0xae: {  	[dreg:$0x1] =	wrdreg $0xFFFFFFFF  }
0xaf: {  	[dreg:$0x0] =	wrdreg $0x60  }
0xb0: {  	[dreg:$0x2] =	wrdreg s2  }
0xb1: {  	[dreg:$0x3] =	wrdreg s19  }
0xb2: {  	[dreg:$0x4] =	wrdreg s4  }
0xb3: {  	[dreg:$0x5] =	wrdreg $0x9  }
0xb4: {  	_ =	task.clear_ibuf [dreg:s9], $0x6FFFF;
	_ =	strace $0x90000046  }
0xb5: {  	s29 =	simm.s32 $0x9;
	_ =	strace $0x80000048  }
0xb6: {  	_ =	swait.ge [sflag:s29], $0x1  }
0xb7: {  	[sflag:s29] =	ssyncadd.s32 $0xFFFFFFFF  }
0xb8: {  	_ =	strace $0x90000048  }
0xb9: {  	_ =	sfence  }
0xba: {  	s30 =	sld [smem:$0x0];
	_ =	sdelay $0x2  }
0xbb: {  	s31 =	sshll.u32 s1, $0xD;
	s1 =	sshrl.u32 s1, $0x2  }
0xbc: {  	s3 =	sand.u32 $0x4000, s31;
	s1 =	sadd.s32 s1, s30  }
0xbd: {  	s0 =	sor.u32 s3, s0;
	s1 =	sshll.u32 s1, $0x11  }
0xbe: {  	s0 =	sor.u32 s1, s0  }
0xbf: {  	s0 =	sadd.s32 $0x8F2B, s0  }
0xc0: {  	[sflag:s0] =	ssyncadd.remote.s32 $0x1  }
0xc1: {  	_ =	sfence.sel $0xFFFF  }
0xc2: {  	[dreg:$0x0] =	wrdreg $0xFFFFFFFF;
	(pc) =	sbr.abs _section_cstart, $3  }
0xc3: {  	[dreg:$0x1] =	wrdreg $0xFFFFFFFF  }
0xc4: {  	_ =	task.clear_ibuf [dreg:s9], $0x2FFFF;
	_ =	strace $0x9FFFFFFF  }
0xc5: {  	(tm) =	ssettm $0x7FFFFFFF  }
tec
execute0_lowered:
.L_overlay_start_1:
0x0: {  	(tag) =	ssettag $0x1  }
0x1: {  	v0 =	vimm.s32 $0xEDCBA987;
	v1 =	vimm.s32 $0x65432100  }
0x2: {  	s1 =	rddreg [dreg:$0x0];
	v4 =	vimm.s32 $0xDCBA9876;
	v5 =	vimm.s32 $0x54321000;
	v6 =	vimm.s32 $0xE40000  }
0x3: {  	s0 =	rddreg [dreg:$0x1];
	v7 =	vimm.s32 $0xBA987654;
	v8 =	vimm.s32 $0x32100000;
	vm0 =	vmmov $0x3  }
0x4: {  	s2 =	rddreg [dreg:$0x2];
	s3 =	srdreg.scid;
	vm2 =	vcmask $0x3F30;
	vm1 =	vmmov $0xf;
	vm3 =	vmmov $0xffff  }
0x5: {  	s5 =	stileid.u32;
	s4 =	simm.s32 $0x0;
	s11 =	simm.s32 $0x400;
	v2 =	vunpack.c.l.s4.s8 v0;
	v0 =	vlaneseq.u32;
	v3 =	vunpack.c.l.s4.s8 v1  }
0x6: {  	s12 =	simm.s32 $0x3;
	s13 =	simm.s32 $0x2;
	s14 =	simm.s32 $0x4C00;
	v1 =	vimm.s32 $0x0;
	v4 =	vunpack.c.l.s4.s8 v4;
	v5 =	vunpack.c.l.s4.s8 v5  }
0x7: {  	s15 =	simm.s32 $0x5080;
	s16 =	simm.s32 $0xC00;
	s17 =	simm.s32 $0x1400;
	v6 =	vunpack.c.l.s2.s4 v6;
	v7 =	vunpack.c.l.s4.s8 v7;
	v8 =	vunpack.c.l.s4.s8 v8  }
0x8: {  	s18 =	simm.s32 $0x1C00;
	s19 =	simm.s32 $0x2400;
	s20 =	simm.s32 $0x2C00;
	v9 =	vshrl.u32 v0, $0x3;
	v2 =	vunpack.c.0.s8.s32 v2;
	v4 =	vunpack.c.0.s8.s32 v4  }
0x9: {  	s21 =	simm.s32 $0x3400;
	s22 =	simm.s32 $0x3C00;
	s23 =	simm.s32 $0x4400;
	v3 =	vunpack.c.0.s8.s32 v3;
	v5 =	vunpack.c.0.s8.s32 v5;
	v6 =	vunpack.c.l.s4.s8 v6  }
0xa: {  	s24 =	simm.s32 $0x1;
	s25 =	simm.s32 $0x0;
	s3 =	sand.u32 $0x1, s3;
	v9 =	vmul.u32 $0x8, v9;
	v2 =	vand.u32 $0xF, v2;
	v4 =	vand.u32 $0xF, v4  }
.Ltmp0:
0xb: {  	s5 =	sshll.u32 s5, $0xB;
	[smem:$0x7FF] =	sst s4;
	v2 =	vcombine.low v3, v2;
	v3 =	vcombine.low v5, v4;
	v4 =	vunpack.c.0.s8.s32 v7;
	(pc) =	sbr.rel .LBB2_1-.Ltmp0, $4  }
0xc: {  	s8 =	sadd.s32 $0x200, s2;
	s6 =	sshll.u32 s3, $0xA;
	s3 =	ssub.s32 $0x2, s3;
	v6 =	vunpack.c.0.s8.s32 v6;
	v5 =	vunpack.c.0.s8.s32 v8;
	v7 =	vimm.s32 $0x7060504  }
0xd: {  	s9 =	sadd.s32 $0x300, s2;
	s5 =	sor.u32 s6, s5;
	s31 =	sshrl.u32 s3, $0x1;
	v8 =	vand.u32 $0x7, v0;
	v7 =	vunpack.c.0.s8.s32 v7;
	v4 =	vand.u32 $0xF, v4  }
0xe: {  	_ =	strace $0x80000047;
	s7 =	sshrl.u32 s5, $0x3;
	s3 =	ssub.s32 s3, s31;
	v4 =	vcombine.low v5, v4;
	v5 =	vand.u32 $0x3, v6;
	v6 =	vadd.s32 $0x1, v0  }
0xf: {  	s6 =	sadd.s32 s1, s7;
	s7 =	sadd.s32 $0x100, s2;
	s10 =	smax.u32 s3, $0x1;
	v5 =	vsel vm2, v7, v5;
	vm2 =	vmmov $0xff;
	v7 =	vimm.s32 $0xF  }
.LBB2_24:
0x10: {  	[sflag:s24] =	ssyncadd.s32 $0xFFFFE000  }
.LBB2_25:
0x11: {  	s25 =	sadd.s32 $0x1, s25  }
0x12: {  	p0 =	sne.s32 s25, s10  }
.Ltmp1:
0x13: {  	_ = 	snop;
	(pc) =	sbr.rel @!p0 .LBB2_26-.Ltmp1, $1  }
0x14: {  	_ =	sdelay $0x3  }
.LBB2_1:
0x15: {  	[tilespmem:s4], [sflag:$0x2] =	stream.linear.gather [hbm4b:s6+s4], $0x400, $0x38;
	[tilespmem:$0x5500] =	vst v63  }
0x16: {  	_ = 	snop  }
0x17: {  	[tilespmem:s11], [sflag:$0x3] =	stream.linear.gather [hbm4b:s0+s4], $0x800, $0x38;
	[tilespmem:$0x5500] =	vst v63  }
0x18: {  	_ =	swait.ge [sflag:s12], $0x800  }
0x19: {  	[sflag:s12] =	ssyncset.done $0x0  }
0x1a: {  	[sflag:s12] =	ssyncadd.s32 $0xFFFFF800  }
0x1b: {  	s26 =	simm.s32 $0x200;
	s28 =	simm.s32 $0x0;
	v10 =	vld [tilespmem:$0x400]  }
.LBB2_2:
0x1c: {  	p0 =	sne.s32 s26, $0xE00;
	_ =	sdelay $0x2  }
0x1d: {  	s29 =	sshra.s32 s28, $0x2;
	s28 =	smov.u32 s26  }
0x1e: {  	[tilespmem:s29+$0xC00] =	vst v10  }
0x1f: {  	v10 =	vld [tilespmem:$0x480];
	_ =	sdelay $0x4  }
0x20: {  	[tilespmem:s29+$0x2C00] =	vst v10  }
0x21: {  	v10 =	vld [tilespmem:$0x410];
	_ =	sdelay $0x4  }
0x22: {  	[tilespmem:s29+$0xC10] =	vst v10  }
0x23: {  	v10 =	vld [tilespmem:$0x490];
	_ =	sdelay $0x4  }
0x24: {  	[tilespmem:s29+$0x2C10] =	vst v10  }
0x25: {  	v10 =	vld [tilespmem:$0x420];
	_ =	sdelay $0x4  }
0x26: {  	[tilespmem:s29+$0xC20] =	vst v10  }
0x27: {  	v10 =	vld [tilespmem:$0x4A0];
	_ =	sdelay $0x4  }
0x28: {  	[tilespmem:s29+$0x2C20] =	vst v10  }
0x29: {  	v10 =	vld [tilespmem:$0x430];
	_ =	sdelay $0x4  }
0x2a: {  	[tilespmem:s29+$0xC30] =	vst v10  }
0x2b: {  	v10 =	vld [tilespmem:$0x4B0];
	_ =	sdelay $0x4  }
0x2c: {  	[tilespmem:s29+$0x2C30] =	vst v10  }
0x2d: {  	v10 =	vld [tilespmem:$0x440];
	_ =	sdelay $0x4  }
0x2e: {  	[tilespmem:s29+$0xC40] =	vst v10  }
0x2f: {  	v10 =	vld [tilespmem:$0x4C0];
	_ =	sdelay $0x4  }
0x30: {  	[tilespmem:s29+$0x2C40] =	vst v10  }
0x31: {  	v10 =	vld [tilespmem:$0x450];
	_ =	sdelay $0x4  }
0x32: {  	[tilespmem:s29+$0xC50] =	vst v10  }
0x33: {  	v10 =	vld [tilespmem:$0x4D0];
	_ =	sdelay $0x4  }
0x34: {  	[tilespmem:s29+$0x2C50] =	vst v10  }
0x35: {  	v10 =	vld [tilespmem:$0x460];
	_ =	sdelay $0x4  }
0x36: {  	[tilespmem:s29+$0xC60] =	vst v10  }
0x37: {  	v10 =	vld [tilespmem:$0x4E0];
	_ =	sdelay $0x4  }
0x38: {  	[tilespmem:s29+$0x2C60] =	vst v10  }
0x39: {  	v10 =	vld [tilespmem:$0x470];
	_ =	sdelay $0x4  }
0x3a: {  	[tilespmem:s29+$0xC70] =	vst v10  }
0x3b: {  	v10 =	vld [tilespmem:$0x4F0];
	_ =	sdelay $0x4  }
0x3c: {  	[tilespmem:s29+$0x2C70] =	vst v10  }
0x3d: {  	v10 =	vld [tilespmem:$0x500];
	_ =	sdelay $0x4  }
0x3e: {  	[tilespmem:s29+$0x1000] =	vst v10  }
0x3f: {  	v10 =	vld [tilespmem:$0x580];
	_ =	sdelay $0x4  }
0x40: {  	[tilespmem:s29+$0x3000] =	vst v10  }
0x41: {  	v10 =	vld [tilespmem:$0x510];
	_ =	sdelay $0x4  }
0x42: {  	[tilespmem:s29+$0x1010] =	vst v10  }
0x43: {  	v10 =	vld [tilespmem:$0x590];
	_ =	sdelay $0x4  }
0x44: {  	[tilespmem:s29+$0x3010] =	vst v10  }
0x45: {  	v10 =	vld [tilespmem:$0x520];
	_ =	sdelay $0x4  }
0x46: {  	[tilespmem:s29+$0x1020] =	vst v10  }
0x47: {  	v10 =	vld [tilespmem:$0x5A0];
	_ =	sdelay $0x4  }
0x48: {  	[tilespmem:s29+$0x3020] =	vst v10  }
0x49: {  	v10 =	vld [tilespmem:$0x530];
	_ =	sdelay $0x4  }
0x4a: {  	[tilespmem:s29+$0x1030] =	vst v10  }
0x4b: {  	v10 =	vld [tilespmem:$0x5B0];
	_ =	sdelay $0x4  }
0x4c: {  	[tilespmem:s29+$0x3030] =	vst v10  }
0x4d: {  	v10 =	vld [tilespmem:$0x540];
	_ =	sdelay $0x4  }
0x4e: {  	[tilespmem:s29+$0x1040] =	vst v10  }
0x4f: {  	v10 =	vld [tilespmem:$0x5C0];
	_ =	sdelay $0x4  }
0x50: {  	[tilespmem:s29+$0x3040] =	vst v10  }
0x51: {  	v10 =	vld [tilespmem:$0x550];
	_ =	sdelay $0x4  }
0x52: {  	[tilespmem:s29+$0x1050] =	vst v10  }
0x53: {  	v10 =	vld [tilespmem:$0x5D0];
	_ =	sdelay $0x4  }
0x54: {  	[tilespmem:s29+$0x3050] =	vst v10  }
0x55: {  	v10 =	vld [tilespmem:$0x560];
	_ =	sdelay $0x4  }
0x56: {  	[tilespmem:s29+$0x1060] =	vst v10  }
0x57: {  	v10 =	vld [tilespmem:$0x5E0];
	_ =	sdelay $0x4  }
0x58: {  	[tilespmem:s29+$0x3060] =	vst v10  }
0x59: {  	v10 =	vld [tilespmem:$0x570];
	_ =	sdelay $0x4  }
0x5a: {  	[tilespmem:s29+$0x1070] =	vst v10  }
0x5b: {  	v10 =	vld [tilespmem:$0x5F0];
	_ =	sdelay $0x4  }
0x5c: {  	[tilespmem:s29+$0x3070] =	vst v10  }
0x5d: {  	v10 =	vld [tilespmem:$0x600];
	_ =	sdelay $0x4  }
0x5e: {  	[tilespmem:s29+$0x1400] =	vst v10  }
0x5f: {  	v10 =	vld [tilespmem:$0x680];
	_ =	sdelay $0x4  }
0x60: {  	[tilespmem:s29+$0x3400] =	vst v10  }
0x61: {  	v10 =	vld [tilespmem:$0x610];
	_ =	sdelay $0x4  }
0x62: {  	[tilespmem:s29+$0x1410] =	vst v10  }
0x63: {  	v10 =	vld [tilespmem:$0x690];
	_ =	sdelay $0x4  }
0x64: {  	[tilespmem:s29+$0x3410] =	vst v10  }
0x65: {  	v10 =	vld [tilespmem:$0x620];
	_ =	sdelay $0x4  }
0x66: {  	[tilespmem:s29+$0x1420] =	vst v10  }
0x67: {  	v10 =	vld [tilespmem:$0x6A0];
	_ =	sdelay $0x4  }
0x68: {  	[tilespmem:s29+$0x3420] =	vst v10  }
0x69: {  	v10 =	vld [tilespmem:$0x630];
	_ =	sdelay $0x4  }
0x6a: {  	[tilespmem:s29+$0x1430] =	vst v10  }
0x6b: {  	v10 =	vld [tilespmem:$0x6B0];
	_ =	sdelay $0x4  }
0x6c: {  	[tilespmem:s29+$0x3430] =	vst v10  }
0x6d: {  	v10 =	vld [tilespmem:$0x640];
	_ =	sdelay $0x4  }
0x6e: {  	[tilespmem:s29+$0x1440] =	vst v10  }
0x6f: {  	v10 =	vld [tilespmem:$0x6C0];
	_ =	sdelay $0x4  }
0x70: {  	[tilespmem:s29+$0x3440] =	vst v10  }
0x71: {  	v10 =	vld [tilespmem:$0x650];
	_ =	sdelay $0x4  }
0x72: {  	[tilespmem:s29+$0x1450] =	vst v10  }
0x73: {  	v10 =	vld [tilespmem:$0x6D0];
	_ =	sdelay $0x4  }
0x74: {  	[tilespmem:s29+$0x3450] =	vst v10  }
0x75: {  	v10 =	vld [tilespmem:$0x660];
	_ =	sdelay $0x4  }
0x76: {  	[tilespmem:s29+$0x1460] =	vst v10  }
0x77: {  	v10 =	vld [tilespmem:$0x6E0];
	_ =	sdelay $0x4  }
0x78: {  	[tilespmem:s29+$0x3460] =	vst v10  }
0x79: {  	v10 =	vld [tilespmem:$0x670];
	_ =	sdelay $0x4  }
0x7a: {  	[tilespmem:s29+$0x1470] =	vst v10  }
0x7b: {  	v10 =	vld [tilespmem:$0x6F0];
	_ =	sdelay $0x4  }
0x7c: {  	[tilespmem:s29+$0x3470] =	vst v10  }
0x7d: {  	v10 =	vld [tilespmem:$0x700];
	_ =	sdelay $0x4  }
0x7e: {  	[tilespmem:s29+$0x1800] =	vst v10  }
0x7f: {  	v10 =	vld [tilespmem:$0x780];
	_ =	sdelay $0x4  }
0x80: {  	[tilespmem:s29+$0x3800] =	vst v10  }
0x81: {  	v10 =	vld [tilespmem:$0x710];
	_ =	sdelay $0x4  }
0x82: {  	[tilespmem:s29+$0x1810] =	vst v10  }
0x83: {  	v10 =	vld [tilespmem:$0x790];
	_ =	sdelay $0x4  }
0x84: {  	[tilespmem:s29+$0x3810] =	vst v10  }
0x85: {  	v10 =	vld [tilespmem:$0x720];
	_ =	sdelay $0x4  }
0x86: {  	[tilespmem:s29+$0x1820] =	vst v10  }
0x87: {  	v10 =	vld [tilespmem:$0x7A0];
	_ =	sdelay $0x4  }
0x88: {  	[tilespmem:s29+$0x3820] =	vst v10  }
0x89: {  	v10 =	vld [tilespmem:$0x730];
	_ =	sdelay $0x4  }
0x8a: {  	[tilespmem:s29+$0x1830] =	vst v10  }
0x8b: {  	v10 =	vld [tilespmem:$0x7B0];
	_ =	sdelay $0x4  }
0x8c: {  	[tilespmem:s29+$0x3830] =	vst v10  }
0x8d: {  	v10 =	vld [tilespmem:$0x740];
	_ =	sdelay $0x4  }
0x8e: {  	[tilespmem:s29+$0x1840] =	vst v10  }
0x8f: {  	v10 =	vld [tilespmem:$0x7C0];
	_ =	sdelay $0x4  }
0x90: {  	[tilespmem:s29+$0x3840] =	vst v10  }
0x91: {  	v10 =	vld [tilespmem:$0x750];
	_ =	sdelay $0x4  }
0x92: {  	[tilespmem:s29+$0x1850] =	vst v10  }
0x93: {  	v10 =	vld [tilespmem:$0x7D0];
	_ =	sdelay $0x4  }
0x94: {  	[tilespmem:s29+$0x3850] =	vst v10  }
0x95: {  	v10 =	vld [tilespmem:$0x760];
	_ =	sdelay $0x4  }
0x96: {  	[tilespmem:s29+$0x1860] =	vst v10  }
0x97: {  	v10 =	vld [tilespmem:$0x7E0];
	_ =	sdelay $0x4  }
0x98: {  	[tilespmem:s29+$0x3860] =	vst v10  }
0x99: {  	v10 =	vld [tilespmem:$0x770];
	_ =	sdelay $0x4  }
0x9a: {  	[tilespmem:s29+$0x1870] =	vst v10  }
0x9b: {  	v10 =	vld [tilespmem:$0x7F0];
	_ =	sdelay $0x4  }
0x9c: {  	[tilespmem:s29+$0x3870] =	vst v10  }
0x9d: {  	v10 =	vld [tilespmem:$0x800];
	_ =	sdelay $0x4  }
0x9e: {  	[tilespmem:s29+$0x1C00] =	vst v10  }
0x9f: {  	v10 =	vld [tilespmem:$0x880];
	_ =	sdelay $0x4  }
0xa0: {  	[tilespmem:s29+$0x3C00] =	vst v10  }
0xa1: {  	v10 =	vld [tilespmem:$0x810];
	_ =	sdelay $0x4  }
0xa2: {  	[tilespmem:s29+$0x1C10] =	vst v10  }
0xa3: {  	v10 =	vld [tilespmem:$0x890];
	_ =	sdelay $0x4  }
0xa4: {  	[tilespmem:s29+$0x3C10] =	vst v10  }
0xa5: {  	v10 =	vld [tilespmem:$0x820];
	_ =	sdelay $0x4  }
0xa6: {  	[tilespmem:s29+$0x1C20] =	vst v10  }
0xa7: {  	v10 =	vld [tilespmem:$0x8A0];
	_ =	sdelay $0x4  }
0xa8: {  	[tilespmem:s29+$0x3C20] =	vst v10  }
0xa9: {  	v10 =	vld [tilespmem:$0x830];
	_ =	sdelay $0x4  }
0xaa: {  	[tilespmem:s29+$0x1C30] =	vst v10  }
0xab: {  	v10 =	vld [tilespmem:$0x8B0];
	_ =	sdelay $0x4  }
0xac: {  	[tilespmem:s29+$0x3C30] =	vst v10  }
0xad: {  	v10 =	vld [tilespmem:$0x840];
	_ =	sdelay $0x4  }
0xae: {  	[tilespmem:s29+$0x1C40] =	vst v10  }
0xaf: {  	v10 =	vld [tilespmem:$0x8C0];
	_ =	sdelay $0x4  }
0xb0: {  	[tilespmem:s29+$0x3C40] =	vst v10  }
0xb1: {  	v10 =	vld [tilespmem:$0x850];
	_ =	sdelay $0x4  }
0xb2: {  	[tilespmem:s29+$0x1C50] =	vst v10  }
0xb3: {  	v10 =	vld [tilespmem:$0x8D0];
	_ =	sdelay $0x4  }
0xb4: {  	[tilespmem:s29+$0x3C50] =	vst v10  }
0xb5: {  	v10 =	vld [tilespmem:$0x860];
	_ =	sdelay $0x4  }
0xb6: {  	[tilespmem:s29+$0x1C60] =	vst v10  }
0xb7: {  	v10 =	vld [tilespmem:$0x8E0];
	_ =	sdelay $0x4  }
0xb8: {  	[tilespmem:s29+$0x3C60] =	vst v10  }
0xb9: {  	v10 =	vld [tilespmem:$0x870];
	_ =	sdelay $0x4  }
0xba: {  	[tilespmem:s29+$0x1C70] =	vst v10  }
0xbb: {  	v10 =	vld [tilespmem:$0x8F0];
	_ =	sdelay $0x4  }
0xbc: {  	[tilespmem:s29+$0x3C70] =	vst v10  }
0xbd: {  	v10 =	vld [tilespmem:$0x900];
	_ =	sdelay $0x4  }
0xbe: {  	[tilespmem:s29+$0x2000] =	vst v10  }
0xbf: {  	v10 =	vld [tilespmem:$0x980];
	_ =	sdelay $0x4  }
0xc0: {  	[tilespmem:s29+$0x4000] =	vst v10  }
0xc1: {  	v10 =	vld [tilespmem:$0x910];
	_ =	sdelay $0x4  }
0xc2: {  	[tilespmem:s29+$0x2010] =	vst v10  }
0xc3: {  	v10 =	vld [tilespmem:$0x990];
	_ =	sdelay $0x4  }
0xc4: {  	[tilespmem:s29+$0x4010] =	vst v10  }
0xc5: {  	v10 =	vld [tilespmem:$0x920];
	_ =	sdelay $0x4  }
0xc6: {  	[tilespmem:s29+$0x2020] =	vst v10  }
0xc7: {  	v10 =	vld [tilespmem:$0x9A0];
	_ =	sdelay $0x4  }
0xc8: {  	[tilespmem:s29+$0x4020] =	vst v10  }
0xc9: {  	v10 =	vld [tilespmem:$0x930];
	_ =	sdelay $0x4  }
0xca: {  	[tilespmem:s29+$0x2030] =	vst v10  }
0xcb: {  	v10 =	vld [tilespmem:$0x9B0];
	_ =	sdelay $0x4  }
0xcc: {  	[tilespmem:s29+$0x4030] =	vst v10  }
0xcd: {  	v10 =	vld [tilespmem:$0x940];
	_ =	sdelay $0x4  }
0xce: {  	[tilespmem:s29+$0x2040] =	vst v10  }
0xcf: {  	v10 =	vld [tilespmem:$0x9C0];
	_ =	sdelay $0x4  }
0xd0: {  	[tilespmem:s29+$0x4040] =	vst v10  }
0xd1: {  	v10 =	vld [tilespmem:$0x950];
	_ =	sdelay $0x4  }
0xd2: {  	[tilespmem:s29+$0x2050] =	vst v10  }
0xd3: {  	v10 =	vld [tilespmem:$0x9D0];
	_ =	sdelay $0x4  }
0xd4: {  	[tilespmem:s29+$0x4050] =	vst v10  }
0xd5: {  	v10 =	vld [tilespmem:$0x960];
	_ =	sdelay $0x4  }
0xd6: {  	[tilespmem:s29+$0x2060] =	vst v10  }
0xd7: {  	v10 =	vld [tilespmem:$0x9E0];
	_ =	sdelay $0x4  }
0xd8: {  	[tilespmem:s29+$0x4060] =	vst v10  }
0xd9: {  	v10 =	vld [tilespmem:$0x970];
	_ =	sdelay $0x4  }
0xda: {  	[tilespmem:s29+$0x2070] =	vst v10  }
0xdb: {  	v10 =	vld [tilespmem:$0x9F0];
	_ =	sdelay $0x4  }
0xdc: {  	[tilespmem:s29+$0x4070] =	vst v10  }
0xdd: {  	v10 =	vld [tilespmem:$0xA00];
	_ =	sdelay $0x4  }
0xde: {  	[tilespmem:s29+$0x2400] =	vst v10  }
0xdf: {  	v10 =	vld [tilespmem:$0xA80];
	_ =	sdelay $0x4  }
0xe0: {  	[tilespmem:s29+$0x4400] =	vst v10  }
0xe1: {  	v10 =	vld [tilespmem:$0xA10];
	_ =	sdelay $0x4  }
0xe2: {  	[tilespmem:s29+$0x2410] =	vst v10  }
0xe3: {  	v10 =	vld [tilespmem:$0xA90];
	_ =	sdelay $0x4  }
0xe4: {  	[tilespmem:s29+$0x4410] =	vst v10  }
0xe5: {  	v10 =	vld [tilespmem:$0xA20];
	_ =	sdelay $0x4  }
0xe6: {  	[tilespmem:s29+$0x2420] =	vst v10  }
0xe7: {  	v10 =	vld [tilespmem:$0xAA0];
	_ =	sdelay $0x4  }
0xe8: {  	[tilespmem:s29+$0x4420] =	vst v10  }
0xe9: {  	v10 =	vld [tilespmem:$0xA30];
	_ =	sdelay $0x4  }
0xea: {  	[tilespmem:s29+$0x2430] =	vst v10  }
0xeb: {  	v10 =	vld [tilespmem:$0xAB0];
	_ =	sdelay $0x4  }
0xec: {  	[tilespmem:s29+$0x4430] =	vst v10  }
0xed: {  	v10 =	vld [tilespmem:$0xA40];
	_ =	sdelay $0x4  }
0xee: {  	[tilespmem:s29+$0x2440] =	vst v10  }
0xef: {  	v10 =	vld [tilespmem:$0xAC0];
	_ =	sdelay $0x4  }
0xf0: {  	[tilespmem:s29+$0x4440] =	vst v10  }
0xf1: {  	v10 =	vld [tilespmem:$0xA50];
	_ =	sdelay $0x4  }
0xf2: {  	[tilespmem:s29+$0x2450] =	vst v10  }
0xf3: {  	v10 =	vld [tilespmem:$0xAD0];
	_ =	sdelay $0x4  }
0xf4: {  	[tilespmem:s29+$0x4450] =	vst v10  }
0xf5: {  	v10 =	vld [tilespmem:$0xA60];
	_ =	sdelay $0x4  }
0xf6: {  	[tilespmem:s29+$0x2460] =	vst v10  }
0xf7: {  	v10 =	vld [tilespmem:$0xAE0];
	_ =	sdelay $0x4  }
0xf8: {  	[tilespmem:s29+$0x4460] =	vst v10  }
0xf9: {  	v10 =	vld [tilespmem:$0xA70];
	_ =	sdelay $0x4  }
0xfa: {  	[tilespmem:s29+$0x2470] =	vst v10  }
0xfb: {  	v10 =	vld [tilespmem:$0xAF0];
	_ =	sdelay $0x4  }
0xfc: {  	[tilespmem:s29+$0x4470] =	vst v10  }
0xfd: {  	v10 =	vld [tilespmem:$0xB00];
	_ =	sdelay $0x4  }
0xfe: {  	[tilespmem:s29+$0x2800] =	vst v10  }
0xff: {  	v10 =	vld [tilespmem:$0xB80];
	_ =	sdelay $0x4  }
0x100: {  	[tilespmem:s29+$0x4800] =	vst v10  }
0x101: {  	v10 =	vld [tilespmem:$0xB10];
	_ =	sdelay $0x4  }
0x102: {  	[tilespmem:s29+$0x2810] =	vst v10  }
0x103: {  	v10 =	vld [tilespmem:$0xB90];
	_ =	sdelay $0x4  }
0x104: {  	[tilespmem:s29+$0x4810] =	vst v10  }
0x105: {  	v10 =	vld [tilespmem:$0xB20];
	_ =	sdelay $0x4  }
0x106: {  	[tilespmem:s29+$0x2820] =	vst v10  }
0x107: {  	v10 =	vld [tilespmem:$0xBA0];
	_ =	sdelay $0x4  }
0x108: {  	[tilespmem:s29+$0x4820] =	vst v10  }
0x109: {  	v10 =	vld [tilespmem:$0xB30];
	_ =	sdelay $0x4  }
0x10a: {  	[tilespmem:s29+$0x2830] =	vst v10  }
0x10b: {  	v10 =	vld [tilespmem:$0xBB0];
	_ =	sdelay $0x4  }
0x10c: {  	[tilespmem:s29+$0x4830] =	vst v10  }
0x10d: {  	v10 =	vld [tilespmem:$0xB40];
	_ =	sdelay $0x4  }
0x10e: {  	[tilespmem:s29+$0x2840] =	vst v10  }
0x10f: {  	v10 =	vld [tilespmem:$0xBC0];
	_ =	sdelay $0x4  }
0x110: {  	[tilespmem:s29+$0x4840] =	vst v10  }
0x111: {  	v10 =	vld [tilespmem:$0xB50];
	_ =	sdelay $0x4  }
0x112: {  	[tilespmem:s29+$0x2850] =	vst v10  }
0x113: {  	v10 =	vld [tilespmem:$0xBD0];
	_ =	sdelay $0x4  }
0x114: {  	[tilespmem:s29+$0x4850] =	vst v10  }
0x115: {  	v10 =	vld [tilespmem:$0xB60];
	_ =	sdelay $0x4  }
0x116: {  	[tilespmem:s29+$0x2860] =	vst v10  }
0x117: {  	v10 =	vld [tilespmem:$0xBE0];
	_ =	sdelay $0x4  }
0x118: {  	[tilespmem:s29+$0x4860] =	vst v10  }
0x119: {  	v10 =	vld [tilespmem:$0xB70];
	_ =	sdelay $0x4  }
0x11a: {  	[tilespmem:s29+$0x2870] =	vst v10  }
0x11b: {  	v10 =	vld [tilespmem:$0xBF0];
	_ =	sdelay $0x1  }
.Ltmp2:
0x11c: {  	(pc) =	sbr.rel @p0 .LBB2_2-.Ltmp2, $3  }
0x11d: {  	_ =	sdelay $0x1  }
0x11e: {  	[tilespmem:s29+$0x4870] =	vst v10  }
0x11f: {  	s26 =	sadd.s32 $0x200, s26;
	v10 =	vld [tilespmem:$0x400]  }
0x120: {  	_ =	sdelay $0x2  }
0x121: {  	s26 =	sshra.s32 s28, $0x2  }
0x122: {  	[tilespmem:s26+$0xC00] =	vst v10  }
0x123: {  	v10 =	vld [tilespmem:$0x480];
	_ =	sdelay $0x4  }
0x124: {  	[tilespmem:s26+$0x2C00] =	vst v10  }
0x125: {  	v10 =	vld [tilespmem:$0x410];
	_ =	sdelay $0x4  }
0x126: {  	[tilespmem:s26+$0xC10] =	vst v10  }
0x127: {  	v10 =	vld [tilespmem:$0x490];
	_ =	sdelay $0x4  }
0x128: {  	[tilespmem:s26+$0x2C10] =	vst v10  }
0x129: {  	v10 =	vld [tilespmem:$0x420];
	_ =	sdelay $0x4  }
0x12a: {  	[tilespmem:s26+$0xC20] =	vst v10  }
0x12b: {  	v10 =	vld [tilespmem:$0x4A0];
	_ =	sdelay $0x4  }
0x12c: {  	[tilespmem:s26+$0x2C20] =	vst v10  }
0x12d: {  	v10 =	vld [tilespmem:$0x430];
	_ =	sdelay $0x4  }
0x12e: {  	[tilespmem:s26+$0xC30] =	vst v10  }
0x12f: {  	v10 =	vld [tilespmem:$0x4B0];
	_ =	sdelay $0x4  }
0x130: {  	[tilespmem:s26+$0x2C30] =	vst v10  }
0x131: {  	v10 =	vld [tilespmem:$0x440];
	_ =	sdelay $0x4  }
0x132: {  	[tilespmem:s26+$0xC40] =	vst v10  }
0x133: {  	v10 =	vld [tilespmem:$0x4C0];
	_ =	sdelay $0x4  }
0x134: {  	[tilespmem:s26+$0x2C40] =	vst v10  }
0x135: {  	v10 =	vld [tilespmem:$0x450];
	_ =	sdelay $0x4  }
0x136: {  	[tilespmem:s26+$0xC50] =	vst v10  }
0x137: {  	v10 =	vld [tilespmem:$0x4D0];
	_ =	sdelay $0x4  }
0x138: {  	[tilespmem:s26+$0x2C50] =	vst v10  }
0x139: {  	v10 =	vld [tilespmem:$0x460];
	_ =	sdelay $0x4  }
0x13a: {  	[tilespmem:s26+$0xC60] =	vst v10  }
0x13b: {  	v10 =	vld [tilespmem:$0x4E0];
	_ =	sdelay $0x4  }
0x13c: {  	[tilespmem:s26+$0x2C60] =	vst v10  }
0x13d: {  	v10 =	vld [tilespmem:$0x470];
	_ =	sdelay $0x4  }
0x13e: {  	[tilespmem:s26+$0xC70] =	vst v10  }
0x13f: {  	v10 =	vld [tilespmem:$0x4F0];
	_ =	sdelay $0x4  }
0x140: {  	[tilespmem:s26+$0x2C70] =	vst v10  }
0x141: {  	v10 =	vld [tilespmem:$0x500];
	_ =	sdelay $0x4  }
0x142: {  	[tilespmem:s26+$0x1000] =	vst v10  }
0x143: {  	v10 =	vld [tilespmem:$0x580];
	_ =	sdelay $0x4  }
0x144: {  	[tilespmem:s26+$0x3000] =	vst v10  }
0x145: {  	v10 =	vld [tilespmem:$0x510];
	_ =	sdelay $0x4  }
0x146: {  	[tilespmem:s26+$0x1010] =	vst v10  }
0x147: {  	v10 =	vld [tilespmem:$0x590];
	_ =	sdelay $0x4  }
0x148: {  	[tilespmem:s26+$0x3010] =	vst v10  }
0x149: {  	v10 =	vld [tilespmem:$0x520];
	_ =	sdelay $0x4  }
0x14a: {  	[tilespmem:s26+$0x1020] =	vst v10  }
0x14b: {  	v10 =	vld [tilespmem:$0x5A0];
	_ =	sdelay $0x4  }
0x14c: {  	[tilespmem:s26+$0x3020] =	vst v10  }
0x14d: {  	v10 =	vld [tilespmem:$0x530];
	_ =	sdelay $0x4  }
0x14e: {  	[tilespmem:s26+$0x1030] =	vst v10  }
0x14f: {  	v10 =	vld [tilespmem:$0x5B0];
	_ =	sdelay $0x4  }
0x150: {  	[tilespmem:s26+$0x3030] =	vst v10  }
0x151: {  	v10 =	vld [tilespmem:$0x540];
	_ =	sdelay $0x4  }
0x152: {  	[tilespmem:s26+$0x1040] =	vst v10  }
0x153: {  	v10 =	vld [tilespmem:$0x5C0];
	_ =	sdelay $0x4  }
0x154: {  	[tilespmem:s26+$0x3040] =	vst v10  }
0x155: {  	v10 =	vld [tilespmem:$0x550];
	_ =	sdelay $0x4  }
0x156: {  	[tilespmem:s26+$0x1050] =	vst v10  }
0x157: {  	v10 =	vld [tilespmem:$0x5D0];
	_ =	sdelay $0x4  }
0x158: {  	[tilespmem:s26+$0x3050] =	vst v10  }
0x159: {  	v10 =	vld [tilespmem:$0x560];
	_ =	sdelay $0x4  }
0x15a: {  	[tilespmem:s26+$0x1060] =	vst v10  }
0x15b: {  	v10 =	vld [tilespmem:$0x5E0];
	_ =	sdelay $0x4  }
0x15c: {  	[tilespmem:s26+$0x3060] =	vst v10  }
0x15d: {  	v10 =	vld [tilespmem:$0x570];
	_ =	sdelay $0x4  }
0x15e: {  	[tilespmem:s26+$0x1070] =	vst v10  }
0x15f: {  	v10 =	vld [tilespmem:$0x5F0];
	_ =	sdelay $0x4  }
0x160: {  	[tilespmem:s26+$0x3070] =	vst v10  }
0x161: {  	v10 =	vld [tilespmem:$0x600];
	_ =	sdelay $0x4  }
0x162: {  	[tilespmem:s26+$0x1400] =	vst v10  }
0x163: {  	v10 =	vld [tilespmem:$0x680];
	_ =	sdelay $0x4  }
0x164: {  	[tilespmem:s26+$0x3400] =	vst v10  }
0x165: {  	v10 =	vld [tilespmem:$0x610];
	_ =	sdelay $0x4  }
0x166: {  	[tilespmem:s26+$0x1410] =	vst v10  }
0x167: {  	v10 =	vld [tilespmem:$0x690];
	_ =	sdelay $0x4  }
0x168: {  	[tilespmem:s26+$0x3410] =	vst v10  }
0x169: {  	v10 =	vld [tilespmem:$0x620];
	_ =	sdelay $0x4  }
0x16a: {  	[tilespmem:s26+$0x1420] =	vst v10  }
0x16b: {  	v10 =	vld [tilespmem:$0x6A0];
	_ =	sdelay $0x4  }
0x16c: {  	[tilespmem:s26+$0x3420] =	vst v10  }
0x16d: {  	v10 =	vld [tilespmem:$0x630];
	_ =	sdelay $0x4  }
0x16e: {  	[tilespmem:s26+$0x1430] =	vst v10  }
0x16f: {  	v10 =	vld [tilespmem:$0x6B0];
	_ =	sdelay $0x4  }
0x170: {  	[tilespmem:s26+$0x3430] =	vst v10  }
0x171: {  	v10 =	vld [tilespmem:$0x640];
	_ =	sdelay $0x4  }
0x172: {  	[tilespmem:s26+$0x1440] =	vst v10  }
0x173: {  	v10 =	vld [tilespmem:$0x6C0];
	_ =	sdelay $0x4  }
0x174: {  	[tilespmem:s26+$0x3440] =	vst v10  }
0x175: {  	v10 =	vld [tilespmem:$0x650];
	_ =	sdelay $0x4  }
0x176: {  	[tilespmem:s26+$0x1450] =	vst v10  }
0x177: {  	v10 =	vld [tilespmem:$0x6D0];
	_ =	sdelay $0x4  }
0x178: {  	[tilespmem:s26+$0x3450] =	vst v10  }
0x179: {  	v10 =	vld [tilespmem:$0x660];
	_ =	sdelay $0x4  }
0x17a: {  	[tilespmem:s26+$0x1460] =	vst v10  }
0x17b: {  	v10 =	vld [tilespmem:$0x6E0];
	_ =	sdelay $0x4  }
0x17c: {  	[tilespmem:s26+$0x3460] =	vst v10  }
0x17d: {  	v10 =	vld [tilespmem:$0x670];
	_ =	sdelay $0x4  }
0x17e: {  	[tilespmem:s26+$0x1470] =	vst v10  }
0x17f: {  	v10 =	vld [tilespmem:$0x6F0];
	_ =	sdelay $0x4  }
0x180: {  	[tilespmem:s26+$0x3470] =	vst v10  }
0x181: {  	v10 =	vld [tilespmem:$0x700];
	_ =	sdelay $0x4  }
0x182: {  	[tilespmem:s26+$0x1800] =	vst v10  }
0x183: {  	v10 =	vld [tilespmem:$0x780];
	_ =	sdelay $0x4  }
0x184: {  	[tilespmem:s26+$0x3800] =	vst v10  }
0x185: {  	v10 =	vld [tilespmem:$0x710];
	_ =	sdelay $0x4  }
0x186: {  	[tilespmem:s26+$0x1810] =	vst v10  }
0x187: {  	v10 =	vld [tilespmem:$0x790];
	_ =	sdelay $0x4  }
0x188: {  	[tilespmem:s26+$0x3810] =	vst v10  }
0x189: {  	v10 =	vld [tilespmem:$0x720];
	_ =	sdelay $0x4  }
0x18a: {  	[tilespmem:s26+$0x1820] =	vst v10  }
0x18b: {  	v10 =	vld [tilespmem:$0x7A0];
	_ =	sdelay $0x4  }
0x18c: {  	[tilespmem:s26+$0x3820] =	vst v10  }
0x18d: {  	v10 =	vld [tilespmem:$0x730];
	_ =	sdelay $0x4  }
0x18e: {  	[tilespmem:s26+$0x1830] =	vst v10  }
0x18f: {  	v10 =	vld [tilespmem:$0x7B0];
	_ =	sdelay $0x4  }
0x190: {  	[tilespmem:s26+$0x3830] =	vst v10  }
0x191: {  	v10 =	vld [tilespmem:$0x740];
	_ =	sdelay $0x4  }
0x192: {  	[tilespmem:s26+$0x1840] =	vst v10  }
0x193: {  	v10 =	vld [tilespmem:$0x7C0];
	_ =	sdelay $0x4  }
0x194: {  	[tilespmem:s26+$0x3840] =	vst v10  }
0x195: {  	v10 =	vld [tilespmem:$0x750];
	_ =	sdelay $0x4  }
0x196: {  	[tilespmem:s26+$0x1850] =	vst v10  }
0x197: {  	v10 =	vld [tilespmem:$0x7D0];
	_ =	sdelay $0x4  }
0x198: {  	[tilespmem:s26+$0x3850] =	vst v10  }
0x199: {  	v10 =	vld [tilespmem:$0x760];
	_ =	sdelay $0x4  }
0x19a: {  	[tilespmem:s26+$0x1860] =	vst v10  }
0x19b: {  	v10 =	vld [tilespmem:$0x7E0];
	_ =	sdelay $0x4  }
0x19c: {  	[tilespmem:s26+$0x3860] =	vst v10  }
0x19d: {  	v10 =	vld [tilespmem:$0x770];
	_ =	sdelay $0x4  }
0x19e: {  	[tilespmem:s26+$0x1870] =	vst v10  }
0x19f: {  	v10 =	vld [tilespmem:$0x7F0];
	_ =	sdelay $0x4  }
0x1a0: {  	[tilespmem:s26+$0x3870] =	vst v10  }
0x1a1: {  	v10 =	vld [tilespmem:$0x800];
	_ =	sdelay $0x4  }
0x1a2: {  	[tilespmem:s26+$0x1C00] =	vst v10  }
0x1a3: {  	v10 =	vld [tilespmem:$0x880];
	_ =	sdelay $0x4  }
0x1a4: {  	[tilespmem:s26+$0x3C00] =	vst v10  }
0x1a5: {  	v10 =	vld [tilespmem:$0x810];
	_ =	sdelay $0x4  }
0x1a6: {  	[tilespmem:s26+$0x1C10] =	vst v10  }
0x1a7: {  	v10 =	vld [tilespmem:$0x890];
	_ =	sdelay $0x4  }
0x1a8: {  	[tilespmem:s26+$0x3C10] =	vst v10  }
0x1a9: {  	v10 =	vld [tilespmem:$0x820];
	_ =	sdelay $0x4  }
0x1aa: {  	[tilespmem:s26+$0x1C20] =	vst v10  }
0x1ab: {  	v10 =	vld [tilespmem:$0x8A0];
	_ =	sdelay $0x4  }
0x1ac: {  	[tilespmem:s26+$0x3C20] =	vst v10  }
0x1ad: {  	v10 =	vld [tilespmem:$0x830];
	_ =	sdelay $0x4  }
0x1ae: {  	[tilespmem:s26+$0x1C30] =	vst v10  }
0x1af: {  	v10 =	vld [tilespmem:$0x8B0];
	_ =	sdelay $0x4  }
0x1b0: {  	[tilespmem:s26+$0x3C30] =	vst v10  }
0x1b1: {  	v10 =	vld [tilespmem:$0x840];
	_ =	sdelay $0x4  }
0x1b2: {  	[tilespmem:s26+$0x1C40] =	vst v10  }
0x1b3: {  	v10 =	vld [tilespmem:$0x8C0];
	_ =	sdelay $0x4  }
0x1b4: {  	[tilespmem:s26+$0x3C40] =	vst v10  }
0x1b5: {  	v10 =	vld [tilespmem:$0x850];
	_ =	sdelay $0x4  }
0x1b6: {  	[tilespmem:s26+$0x1C50] =	vst v10  }
0x1b7: {  	v10 =	vld [tilespmem:$0x8D0];
	_ =	sdelay $0x4  }
0x1b8: {  	[tilespmem:s26+$0x3C50] =	vst v10  }
0x1b9: {  	v10 =	vld [tilespmem:$0x860];
	_ =	sdelay $0x4  }
0x1ba: {  	[tilespmem:s26+$0x1C60] =	vst v10  }
0x1bb: {  	v10 =	vld [tilespmem:$0x8E0];
	_ =	sdelay $0x4  }
0x1bc: {  	[tilespmem:s26+$0x3C60] =	vst v10  }
0x1bd: {  	v10 =	vld [tilespmem:$0x870];
	_ =	sdelay $0x4  }
0x1be: {  	[tilespmem:s26+$0x1C70] =	vst v10  }
0x1bf: {  	v10 =	vld [tilespmem:$0x8F0];
	_ =	sdelay $0x4  }
0x1c0: {  	[tilespmem:s26+$0x3C70] =	vst v10  }
0x1c1: {  	v10 =	vld [tilespmem:$0x900];
	_ =	sdelay $0x4  }
0x1c2: {  	[tilespmem:s26+$0x2000] =	vst v10  }
0x1c3: {  	v10 =	vld [tilespmem:$0x980];
	_ =	sdelay $0x4  }
0x1c4: {  	[tilespmem:s26+$0x4000] =	vst v10  }
0x1c5: {  	v10 =	vld [tilespmem:$0x910];
	_ =	sdelay $0x4  }
0x1c6: {  	[tilespmem:s26+$0x2010] =	vst v10  }
0x1c7: {  	v10 =	vld [tilespmem:$0x990];
	_ =	sdelay $0x4  }
0x1c8: {  	[tilespmem:s26+$0x4010] =	vst v10  }
0x1c9: {  	v10 =	vld [tilespmem:$0x920];
	_ =	sdelay $0x4  }
0x1ca: {  	[tilespmem:s26+$0x2020] =	vst v10  }
0x1cb: {  	v10 =	vld [tilespmem:$0x9A0];
	_ =	sdelay $0x4  }
0x1cc: {  	[tilespmem:s26+$0x4020] =	vst v10  }
0x1cd: {  	v10 =	vld [tilespmem:$0x930];
	_ =	sdelay $0x4  }
0x1ce: {  	[tilespmem:s26+$0x2030] =	vst v10  }
0x1cf: {  	v10 =	vld [tilespmem:$0x9B0];
	_ =	sdelay $0x4  }
0x1d0: {  	[tilespmem:s26+$0x4030] =	vst v10  }
0x1d1: {  	v10 =	vld [tilespmem:$0x940];
	_ =	sdelay $0x4  }
0x1d2: {  	[tilespmem:s26+$0x2040] =	vst v10  }
0x1d3: {  	v10 =	vld [tilespmem:$0x9C0];
	_ =	sdelay $0x4  }
0x1d4: {  	[tilespmem:s26+$0x4040] =	vst v10  }
0x1d5: {  	v10 =	vld [tilespmem:$0x950];
	_ =	sdelay $0x4  }
0x1d6: {  	[tilespmem:s26+$0x2050] =	vst v10  }
0x1d7: {  	v10 =	vld [tilespmem:$0x9D0];
	_ =	sdelay $0x4  }
0x1d8: {  	[tilespmem:s26+$0x4050] =	vst v10  }
0x1d9: {  	v10 =	vld [tilespmem:$0x960];
	_ =	sdelay $0x4  }
0x1da: {  	[tilespmem:s26+$0x2060] =	vst v10  }
0x1db: {  	v10 =	vld [tilespmem:$0x9E0];
	_ =	sdelay $0x4  }
0x1dc: {  	[tilespmem:s26+$0x4060] =	vst v10  }
0x1dd: {  	v10 =	vld [tilespmem:$0x970];
	_ =	sdelay $0x4  }
0x1de: {  	[tilespmem:s26+$0x2070] =	vst v10  }
0x1df: {  	v10 =	vld [tilespmem:$0x9F0];
	_ =	sdelay $0x4  }
0x1e0: {  	[tilespmem:s26+$0x4070] =	vst v10  }
0x1e1: {  	v10 =	vld [tilespmem:$0xA00];
	_ =	sdelay $0x4  }
0x1e2: {  	[tilespmem:s26+$0x2400] =	vst v10  }
0x1e3: {  	v10 =	vld [tilespmem:$0xA80];
	_ =	sdelay $0x4  }
0x1e4: {  	[tilespmem:s26+$0x4400] =	vst v10  }
0x1e5: {  	v10 =	vld [tilespmem:$0xA10];
	_ =	sdelay $0x4  }
0x1e6: {  	[tilespmem:s26+$0x2410] =	vst v10  }
0x1e7: {  	v10 =	vld [tilespmem:$0xA90];
	_ =	sdelay $0x4  }
0x1e8: {  	[tilespmem:s26+$0x4410] =	vst v10  }
0x1e9: {  	v10 =	vld [tilespmem:$0xA20];
	_ =	sdelay $0x4  }
0x1ea: {  	[tilespmem:s26+$0x2420] =	vst v10  }
0x1eb: {  	v10 =	vld [tilespmem:$0xAA0];
	_ =	sdelay $0x4  }
0x1ec: {  	[tilespmem:s26+$0x4420] =	vst v10  }
0x1ed: {  	v10 =	vld [tilespmem:$0xA30];
	_ =	sdelay $0x4  }
0x1ee: {  	[tilespmem:s26+$0x2430] =	vst v10  }
0x1ef: {  	v10 =	vld [tilespmem:$0xAB0];
	_ =	sdelay $0x4  }
0x1f0: {  	[tilespmem:s26+$0x4430] =	vst v10  }
0x1f1: {  	v10 =	vld [tilespmem:$0xA40];
	_ =	sdelay $0x4  }
0x1f2: {  	[tilespmem:s26+$0x2440] =	vst v10  }
0x1f3: {  	v10 =	vld [tilespmem:$0xAC0];
	_ =	sdelay $0x4  }
0x1f4: {  	[tilespmem:s26+$0x4440] =	vst v10  }
0x1f5: {  	v10 =	vld [tilespmem:$0xA50];
	_ =	sdelay $0x4  }
0x1f6: {  	[tilespmem:s26+$0x2450] =	vst v10  }
0x1f7: {  	v10 =	vld [tilespmem:$0xAD0];
	_ =	sdelay $0x4  }
0x1f8: {  	[tilespmem:s26+$0x4450] =	vst v10  }
0x1f9: {  	v10 =	vld [tilespmem:$0xA60];
	_ =	sdelay $0x4  }
0x1fa: {  	[tilespmem:s26+$0x2460] =	vst v10  }
0x1fb: {  	v10 =	vld [tilespmem:$0xAE0];
	_ =	sdelay $0x4  }
0x1fc: {  	[tilespmem:s26+$0x4460] =	vst v10  }
0x1fd: {  	v10 =	vld [tilespmem:$0xA70];
	_ =	sdelay $0x4  }
0x1fe: {  	[tilespmem:s26+$0x2470] =	vst v10  }
0x1ff: {  	v10 =	vld [tilespmem:$0xAF0];
	_ =	sdelay $0x4  }
0x200: {  	[tilespmem:s26+$0x4470] =	vst v10  }
0x201: {  	v10 =	vld [tilespmem:$0xB00];
	_ =	sdelay $0x4  }
0x202: {  	[tilespmem:s26+$0x2800] =	vst v10  }
0x203: {  	v10 =	vld [tilespmem:$0xB80];
	_ =	sdelay $0x4  }
0x204: {  	[tilespmem:s26+$0x4800] =	vst v10  }
0x205: {  	v10 =	vld [tilespmem:$0xB10];
	_ =	sdelay $0x4  }
0x206: {  	[tilespmem:s26+$0x2810] =	vst v10  }
0x207: {  	v10 =	vld [tilespmem:$0xB90];
	_ =	sdelay $0x4  }
0x208: {  	[tilespmem:s26+$0x4810] =	vst v10  }
0x209: {  	v10 =	vld [tilespmem:$0xB20];
	_ =	sdelay $0x4  }
0x20a: {  	[tilespmem:s26+$0x2820] =	vst v10  }
0x20b: {  	v10 =	vld [tilespmem:$0xBA0];
	_ =	sdelay $0x4  }
0x20c: {  	[tilespmem:s26+$0x4820] =	vst v10  }
0x20d: {  	v10 =	vld [tilespmem:$0xB30];
	_ =	sdelay $0x4  }
0x20e: {  	[tilespmem:s26+$0x2830] =	vst v10  }
0x20f: {  	v10 =	vld [tilespmem:$0xBB0];
	_ =	sdelay $0x4  }
0x210: {  	[tilespmem:s26+$0x4830] =	vst v10  }
0x211: {  	v10 =	vld [tilespmem:$0xB40];
	_ =	sdelay $0x4  }
0x212: {  	[tilespmem:s26+$0x2840] =	vst v10  }
0x213: {  	v10 =	vld [tilespmem:$0xBC0];
	_ =	sdelay $0x4  }
0x214: {  	[tilespmem:s26+$0x4840] =	vst v10  }
0x215: {  	v10 =	vld [tilespmem:$0xB50];
	_ =	sdelay $0x4  }
0x216: {  	[tilespmem:s26+$0x2850] =	vst v10  }
0x217: {  	v10 =	vld [tilespmem:$0xBD0];
	_ =	sdelay $0x4  }
0x218: {  	[tilespmem:s26+$0x4850] =	vst v10  }
0x219: {  	v10 =	vld [tilespmem:$0xB60];
	_ =	sdelay $0x4  }
0x21a: {  	[tilespmem:s26+$0x2860] =	vst v10  }
0x21b: {  	v10 =	vld [tilespmem:$0xBE0];
	_ =	sdelay $0x4  }
0x21c: {  	[tilespmem:s26+$0x4860] =	vst v10  }
0x21d: {  	v10 =	vld [tilespmem:$0xB70];
	_ =	sdelay $0x4  }
0x21e: {  	[tilespmem:s26+$0x2870] =	vst v10  }
0x21f: {  	v10 =	vld [tilespmem:$0xBF0];
	_ =	sdelay $0x3  }
.Ltmp3:
0x220: {  	_ = 	snop;
	(pc) =	sbr.rel .LBB2_4-.Ltmp3, $4  }
0x221: {  	[tilespmem:s26+$0x4870] =	vst v10  }
0x222: {  	_ =	swait.ge [sflag:s13], $0x400  }
0x223: {  	[sflag:s13] =	ssyncset.done $0x0  }
0x224: {  	v11 =	vimm.s32 $0x0;
	s26 =	simm.s32 $0x0;
	v10 =	vimm.s32 $0x0;
	[sflag:s13] =	ssyncadd.s32 $0xFFFFFC00  }
.LBB2_11:
0x225: {  	_ =	sdelay $0x3  }
0x226: {  	[hbm4b:s9+s4] =	stream.indirect_vreg.scatter [tilespmem:s23], [sflag:$0x1], $0x80, v11, vm3, $0xb8;
	[tilespmem:$0x5500] =	vst v63  }
.LBB2_12:
0x227: {  	s26 =	sadd.s32 $0x1, s26  }
0x228: {  	p0 =	sne.s32 s26, $0x40  }
.Ltmp4:
0x229: {  	_ = 	snop;
	(pc) =	sbr.rel @!p0 .LBB2_13-.Ltmp4, $2  }
0x22a: {  	_ =	sdelay $0x2  }
0x22b: {  	v11 =	vmov v12  }
.LBB2_4:
0x22c: {  	s1 =	sshll.u32 s26, $0x4  }
0x22d: {  	v13 =	vld [tilespmem:s1+$0x0];
	_ =	sdelay $0x4  }
0x22e: {  	vm4 =	veq.s32 v13, $0x0  }
0x22f: {  	v12 =	vsel vm4, $0x1, v1  }
0x230: {  	v14 =	vperm.xlane v12, v2  }
0x231: {  	vm5 =	veq.s32 v0, $0x0  }
0x232: {  	v14 =	vsel vm5, $0x0, v14  }
0x233: {  	v12 =	vadd.s32 v12, v14  }
0x234: {  	v14 =	vperm.xlane v12, v3;
	_ =	sdelay $0x1  }
0x235: {  	v14 =	vsel vm0, $0x0, v14  }
0x236: {  	v12 =	vadd.s32 v14, v12  }
0x237: {  	v14 =	vperm.xlane v12, v4;
	_ =	sdelay $0x1  }
0x238: {  	v14 =	vsel vm1, $0x0, v14  }
0x239: {  	v12 =	vadd.s32 v14, v12  }
0x23a: {  	v14 =	vperm.xlane v12, v5;
	_ =	sdelay $0x1  }
0x23b: {  	v14 =	vsel vm2, $0x0, v14  }
0x23c: {  	v12 =	vadd.s32 v14, v12  }
0x23d: {  	v14 =	vperm.xlane v12, v7  }
0x23e: {  	v15 =	vmov v10  }
0x23f: {  	(v2sf) =	vpush v15, $0x0;
	v10 =	vadd.s32 v10, v14  }
0x240: {  	(v2sf) =	vpush v10, $0x0;
	_ =	sdelay $0xd  }
0x241: {  	s3 =	spop (v2sf)  }
0x242: {  	s29 =	spop (v2sf)  }
0x243: {  	s1 =	sor.u32 s5, s1;
	vm5 =	vne.s32 v13, $0x0;
	s3 =	sshra.s32 s3, $0x3;
	v14 =	vadd.s32 v12, v15;
	s28 =	sshra.s32 s29, $0x3  }
0x244: {  	v15 =	vor.u32 s1, v0;
	v13 =	vadd.s32 $0xFFFFFFFF, v14;
	v14 =	vsub.s32 v11, v12;
	s1 =	ssub.s32 s28, s3  }
0x245: {  	v14 =	vadd.s32 v0, v14;
	p0 =	slt.s32 s1, $0x1  }
.Ltmp5:
0x246: {  	_ = 	snop;
	(pc) =	sbr.rel @p0 .LBB2_8-.Ltmp5, $3  }
0x247: {  	_ =	sdelay $0x1  }
0x248: {  	[tilespmem:v13+s14+$0x0] =	vst.idx.msk vm4, v15  }
0x249: {  	[tilespmem:v14+s15+$0x0] =	vst.idx.msk vm5, v15  }
0x24a: {  	s3 =	sshll.u32 s3, $0x5  }
0x24b: {  	s3 =	sshra.s32 s3, $0x2  }
0x24c: {  	s3 =	sadd.s32 $0x4C00, s3  }
0x24d: {  	v13 =	vld.msk [tilespmem:s3+$0x0], $0xff;
	_ =	sdelay $0x4  }
0x24e: {  	v14 =	vshll.u32 v13, $0x3  }
0x24f: {  	v13 =	vand.u32 $0x7, v13;
	v14 =	vand.u32 $0xFFFFFFC0, v14  }
0x250: {  	v13 =	vor.u32 v13, v14  }
0x251: {  	v13 =	vperm.xlane v13, v8;
	_ =	sdelay $0x1  }
0x252: {  	v13 =	vadd.s32 v9, v13;
	_ =	sdelay $0x3  }
0x253: {  	p0 =	sne.s32 s1, $0x1  }
0x254: {  	[hbm4b:s2+s4] =	stream.indirect_vreg.scatter [tilespmem:s16], [sflag:$0x1], $0x80, v13, vm3, $0xb8;
	[tilespmem:$0x5500] =	vst v63  }
.Ltmp6:
0x255: {  	_ = 	snop;
	(pc) =	sbr.rel @!p0 .LBB2_7-.Ltmp6, $4  }
0x256: {  	_ = 	snop  }
0x257: {  	[hbm4b:s7+s4] =	stream.indirect_vreg.scatter [tilespmem:s17], [sflag:$0x1], $0x80, v13, vm3, $0xb8;
	[tilespmem:$0x5500] =	vst v63  }
0x258: {  	s30 =	sadd.s32 $0xFFFFFFFF, s1;
	s1 =	sadd.s32 $0x8, s3  }
0x259: {  	[hbm4b:s8+s4] =	stream.indirect_vreg.scatter [tilespmem:s18], [sflag:$0x1], $0x80, v13, vm3, $0xb8;
	[tilespmem:$0x5500] =	vst v63  }
.LBB2_6:
0x25a: {  	[hbm4b:s9+s4] =	stream.indirect_vreg.scatter [tilespmem:s19], [sflag:$0x1], $0x80, v13, vm3, $0xb8;
	[tilespmem:$0x5500] =	vst v63  }
0x25b: {  	p0 =	sne.s32 s30, $0x1;
	s30 =	sadd.s32 $0xFFFFFFFF, s30;
	v13 =	vld.msk [tilespmem:s1+$0x0], $0xff;
	_ =	sdelay $0x4  }
0x25c: {  	v14 =	vshll.u32 v13, $0x3  }
0x25d: {  	v13 =	vand.u32 $0x7, v13;
	v14 =	vand.u32 $0xFFFFFFC0, v14  }
0x25e: {  	v13 =	vor.u32 v13, v14  }
0x25f: {  	v13 =	vperm.xlane v13, v8;
	_ =	sdelay $0x1  }
0x260: {  	v13 =	vadd.s32 v9, v13;
	_ =	sdelay $0x4  }
0x261: {  	[hbm4b:s2+s4] =	stream.indirect_vreg.scatter [tilespmem:s16], [sflag:$0x1], $0x80, v13, vm3, $0xb8;
	[tilespmem:$0x5500] =	vst v63  }
.Ltmp7:
0x262: {  	(pc) =	sbr.rel @p0 .LBB2_6-.Ltmp7, $4  }
0x263: {  	[hbm4b:s7+s4] =	stream.indirect_vreg.scatter [tilespmem:s17], [sflag:$0x1], $0x80, v13, vm3, $0xb8;
	[tilespmem:$0x5500] =	vst v63  }
0x264: {  	_ = 	snop  }
0x265: {  	[hbm4b:s8+s4] =	stream.indirect_vreg.scatter [tilespmem:s18], [sflag:$0x1], $0x80, v13, vm3, $0xb8;
	[tilespmem:$0x5500] =	vst v63  }
0x266: {  	s1 =	sadd.s32 $0x8, s1  }
.LBB2_7:
0x267: {  	_ =	sdelay $0x3  }
0x268: {  	[hbm4b:s9+s4] =	stream.indirect_vreg.scatter [tilespmem:s19], [sflag:$0x1], $0x80, v13, vm3, $0xb8;
	[tilespmem:$0x5500] =	vst v63  }
.LBB2_8:
0x269: {  	v12 =	vsub.s32 v6, v12  }
0x26a: {  	v12 =	vperm.xlane v12, v7;
	_ =	sdelay $0x1  }
0x26b: {  	(v2sf) =	vpush v11, $0x0;
	v12 =	vadd.s32 v11, v12  }
0x26c: {  	(v2sf) =	vpush v12, $0x0;
	_ =	sdelay $0xd  }
0x26d: {  	s1 =	spop (v2sf)  }
0x26e: {  	s31 =	spop (v2sf)  }
0x26f: {  	s3 =	sshra.s32 s1, $0x3;
	s30 =	sshra.s32 s31, $0x3  }
0x270: {  	s1 =	ssub.s32 s30, s3  }
0x271: {  	p0 =	slt.s32 s1, $0x1  }
.Ltmp8:
0x272: {  	_ = 	snop;
	(pc) =	sbr.rel @p0 .LBB2_12-.Ltmp8, $1  }
0x273: {  	_ =	sdelay $0x3  }
0x274: {  	s3 =	sshll.u32 s3, $0x5  }
0x275: {  	s3 =	sshra.s32 s3, $0x2  }
0x276: {  	s3 =	sadd.s32 $0x5080, s3  }
0x277: {  	v11 =	vld.msk [tilespmem:s3+$0x0], $0xff;
	_ =	sdelay $0x4  }
0x278: {  	v13 =	vshll.u32 v11, $0x3  }
0x279: {  	v11 =	vand.u32 $0x7, v11;
	v13 =	vand.u32 $0xFFFFFFC0, v13  }
0x27a: {  	v11 =	vor.u32 v11, v13  }
0x27b: {  	v11 =	vperm.xlane v11, v8;
	_ =	sdelay $0x1  }
0x27c: {  	v11 =	vadd.s32 v9, v11;
	_ =	sdelay $0x3  }
0x27d: {  	p0 =	sne.s32 s1, $0x1  }
0x27e: {  	[hbm4b:s2+s4] =	stream.indirect_vreg.scatter [tilespmem:s20], [sflag:$0x1], $0x80, v11, vm3, $0xb8;
	[tilespmem:$0x5500] =	vst v63  }
.Ltmp9:
0x27f: {  	_ = 	snop;
	(pc) =	sbr.rel @!p0 .LBB2_11-.Ltmp9, $4  }
0x280: {  	_ = 	snop  }
0x281: {  	[hbm4b:s7+s4] =	stream.indirect_vreg.scatter [tilespmem:s21], [sflag:$0x1], $0x80, v11, vm3, $0xb8;
	[tilespmem:$0x5500] =	vst v63  }
0x282: {  	s1 =	sadd.s32 $0xFFFFFFFF, s1;
	s3 =	sadd.s32 $0x8, s3  }
0x283: {  	[hbm4b:s8+s4] =	stream.indirect_vreg.scatter [tilespmem:s22], [sflag:$0x1], $0x80, v11, vm3, $0xb8;
	[tilespmem:$0x5500] =	vst v63  }
.LBB2_10:
0x284: {  	[hbm4b:s9+s4] =	stream.indirect_vreg.scatter [tilespmem:s23], [sflag:$0x1], $0x80, v11, vm3, $0xb8;
	[tilespmem:$0x5500] =	vst v63  }
0x285: {  	p0 =	sne.s32 s1, $0x1;
	s1 =	sadd.s32 $0xFFFFFFFF, s1;
	v11 =	vld.msk [tilespmem:s3+$0x0], $0xff;
	_ =	sdelay $0x4  }
0x286: {  	v13 =	vshll.u32 v11, $0x3  }
0x287: {  	v11 =	vand.u32 $0x7, v11;
	v13 =	vand.u32 $0xFFFFFFC0, v13  }
0x288: {  	v11 =	vor.u32 v11, v13  }
0x289: {  	v11 =	vperm.xlane v11, v8;
	_ =	sdelay $0x1  }
0x28a: {  	v11 =	vadd.s32 v9, v11;
	_ =	sdelay $0x4  }
0x28b: {  	[hbm4b:s2+s4] =	stream.indirect_vreg.scatter [tilespmem:s20], [sflag:$0x1], $0x80, v11, vm3, $0xb8;
	[tilespmem:$0x5500] =	vst v63  }
.Ltmp10:
0x28c: {  	(pc) =	sbr.rel @p0 .LBB2_10-.Ltmp10, $4  }
0x28d: {  	[hbm4b:s7+s4] =	stream.indirect_vreg.scatter [tilespmem:s21], [sflag:$0x1], $0x80, v11, vm3, $0xb8;
	[tilespmem:$0x5500] =	vst v63  }
0x28e: {  	_ = 	snop  }
0x28f: {  	[hbm4b:s8+s4] =	stream.indirect_vreg.scatter [tilespmem:s22], [sflag:$0x1], $0x80, v11, vm3, $0xb8;
	[tilespmem:$0x5500] =	vst v63  }
0x290: {  	s3 =	sadd.s32 $0x8, s3  }
.Ltmp11:
0x291: {  	_ = 	snop;
	(pc) =	sbr.rel .LBB2_11-.Ltmp11, $1  }
0x292: {  	_ =	sdelay $0x3  }
.LBB2_13:
0x293: {  	s1 =	sand.u32 $0xFFFFFFF8, s29  }
0x294: {  	v10 =	vmov s1  }
0x295: {  	s3 =	sand.u32 $0x7, s29  }
0x296: {  	v11 =	vmov s3  }
0x297: {  	vm4 =	vlt.u32 v11, v6  }
0x298: {  	vm4 =	vmand vm4, vm2  }
0x299: {  	v11 =	vadd.s32 s1, v0;
	s1 =	sand.u32 $0xFFFFFFF8, s31;
	v10 =	vld.idx.msk [tilespmem:v10+s14+$0x0], $0xffff  }
0x29a: {  	v12 =	vmov s1  }
0x29b: {  	s26 =	sand.u32 $0x7, s31  }
0x29c: {  	s29 =	sadd.s32 $0x7, s29;
	v13 =	vmov s26  }
0x29d: {  	s26 =	sshra.s32 s29, $0x3;
	vm5 =	vlt.u32 v13, v6  }
0x29e: {  	[tilespmem:v11+s14+$0x0] =	vst.idx.msk vm4, v10;
	vm4 =	vmand vm5, vm2;
	v11 =	vadd.s32 s1, v0;
	s1 =	ssub.s32 s26, s28  }
0x29f: {  	v10 =	vld.idx.msk [tilespmem:v12+s15+$0x0], $0xffff;
	p0 =	slt.s32 s1, $0x1  }
.Ltmp12:
0x2a0: {  	_ = 	snop;
	(pc) =	sbr.rel @p0 .LBB2_17-.Ltmp12, $2  }
0x2a1: {  	_ =	sdelay $0x2  }
0x2a2: {  	[tilespmem:v11+s15+$0x0] =	vst.idx.msk vm4, v10  }
0x2a3: {  	s3 =	sshll.u32 s28, $0x5  }
0x2a4: {  	s3 =	sshra.s32 s3, $0x2  }
0x2a5: {  	s3 =	sadd.s32 $0x4C00, s3  }
0x2a6: {  	v10 =	vld.msk [tilespmem:s3+$0x0], $0xff;
	_ =	sdelay $0x4  }
0x2a7: {  	v11 =	vshll.u32 v10, $0x3  }
0x2a8: {  	v10 =	vand.u32 $0x7, v10;
	v11 =	vand.u32 $0xFFFFFFC0, v11  }
0x2a9: {  	v10 =	vor.u32 v10, v11  }
0x2aa: {  	v10 =	vperm.xlane v10, v8;
	_ =	sdelay $0x1  }
0x2ab: {  	v10 =	vadd.s32 v9, v10;
	_ =	sdelay $0x3  }
0x2ac: {  	p0 =	sne.s32 s1, $0x1  }
0x2ad: {  	[hbm4b:s2+s4] =	stream.indirect_vreg.scatter [tilespmem:s16], [sflag:$0x1], $0x80, v10, vm3, $0xb8;
	[tilespmem:$0x5500] =	vst v63  }
.Ltmp13:
0x2ae: {  	_ = 	snop;
	(pc) =	sbr.rel @!p0 .LBB2_16-.Ltmp13, $4  }
0x2af: {  	_ = 	snop  }
0x2b0: {  	[hbm4b:s7+s4] =	stream.indirect_vreg.scatter [tilespmem:s17], [sflag:$0x1], $0x80, v10, vm3, $0xb8;
	[tilespmem:$0x5500] =	vst v63  }
0x2b1: {  	s1 =	sadd.s32 $0xFFFFFFFF, s1;
	s3 =	sadd.s32 $0x8, s3  }
0x2b2: {  	[hbm4b:s8+s4] =	stream.indirect_vreg.scatter [tilespmem:s18], [sflag:$0x1], $0x80, v10, vm3, $0xb8;
	[tilespmem:$0x5500] =	vst v63  }
.LBB2_15:
0x2b3: {  	[hbm4b:s9+s4] =	stream.indirect_vreg.scatter [tilespmem:s19], [sflag:$0x1], $0x80, v10, vm3, $0xb8;
	[tilespmem:$0x5500] =	vst v63  }
0x2b4: {  	p0 =	sne.s32 s1, $0x1;
	s1 =	sadd.s32 $0xFFFFFFFF, s1;
	v10 =	vld.msk [tilespmem:s3+$0x0], $0xff;
	_ =	sdelay $0x4  }
0x2b5: {  	v11 =	vshll.u32 v10, $0x3  }
0x2b6: {  	v10 =	vand.u32 $0x7, v10;
	v11 =	vand.u32 $0xFFFFFFC0, v11  }
0x2b7: {  	v10 =	vor.u32 v10, v11  }
0x2b8: {  	v10 =	vperm.xlane v10, v8;
	_ =	sdelay $0x1  }
0x2b9: {  	v10 =	vadd.s32 v9, v10;
	_ =	sdelay $0x4  }
0x2ba: {  	[hbm4b:s2+s4] =	stream.indirect_vreg.scatter [tilespmem:s16], [sflag:$0x1], $0x80, v10, vm3, $0xb8;
	[tilespmem:$0x5500] =	vst v63  }
.Ltmp14:
0x2bb: {  	(pc) =	sbr.rel @p0 .LBB2_15-.Ltmp14, $4  }
0x2bc: {  	[hbm4b:s7+s4] =	stream.indirect_vreg.scatter [tilespmem:s17], [sflag:$0x1], $0x80, v10, vm3, $0xb8;
	[tilespmem:$0x5500] =	vst v63  }
0x2bd: {  	_ = 	snop  }
0x2be: {  	[hbm4b:s8+s4] =	stream.indirect_vreg.scatter [tilespmem:s18], [sflag:$0x1], $0x80, v10, vm3, $0xb8;
	[tilespmem:$0x5500] =	vst v63  }
0x2bf: {  	s3 =	sadd.s32 $0x8, s3  }
.LBB2_16:
0x2c0: {  	_ =	sdelay $0x3  }
0x2c1: {  	[hbm4b:s9+s4] =	stream.indirect_vreg.scatter [tilespmem:s19], [sflag:$0x1], $0x80, v10, vm3, $0xb8;
	[tilespmem:$0x5500] =	vst v63  }
.LBB2_17:
0x2c2: {  	s1 =	sadd.s32 $0x7, s31  }
0x2c3: {  	s28 =	sshra.s32 s1, $0x3  }
0x2c4: {  	s1 =	ssub.s32 s28, s30  }
0x2c5: {  	p0 =	slt.s32 s1, $0x1  }
.Ltmp15:
0x2c6: {  	_ = 	snop;
	(pc) =	sbr.rel @p0 .LBB2_21-.Ltmp15, $1  }
0x2c7: {  	_ =	sdelay $0x3  }
0x2c8: {  	s3 =	sshll.u32 s30, $0x5  }
0x2c9: {  	s3 =	sshra.s32 s3, $0x2  }
0x2ca: {  	s3 =	sadd.s32 $0x5080, s3  }
0x2cb: {  	v10 =	vld.msk [tilespmem:s3+$0x0], $0xff;
	_ =	sdelay $0x4  }
0x2cc: {  	v11 =	vshll.u32 v10, $0x3  }
0x2cd: {  	v10 =	vand.u32 $0x7, v10;
	v11 =	vand.u32 $0xFFFFFFC0, v11  }
0x2ce: {  	v10 =	vor.u32 v10, v11  }
0x2cf: {  	v10 =	vperm.xlane v10, v8;
	_ =	sdelay $0x1  }
0x2d0: {  	v10 =	vadd.s32 v9, v10;
	_ =	sdelay $0x3  }
0x2d1: {  	p0 =	sne.s32 s1, $0x1  }
0x2d2: {  	[hbm4b:s2+s4] =	stream.indirect_vreg.scatter [tilespmem:s20], [sflag:$0x1], $0x80, v10, vm3, $0xb8;
	[tilespmem:$0x5500] =	vst v63  }
.Ltmp16:
0x2d3: {  	_ = 	snop;
	(pc) =	sbr.rel @!p0 .LBB2_20-.Ltmp16, $4  }
0x2d4: {  	_ = 	snop  }
0x2d5: {  	[hbm4b:s7+s4] =	stream.indirect_vreg.scatter [tilespmem:s21], [sflag:$0x1], $0x80, v10, vm3, $0xb8;
	[tilespmem:$0x5500] =	vst v63  }
0x2d6: {  	s1 =	sadd.s32 $0xFFFFFFFF, s1;
	s3 =	sadd.s32 $0x8, s3  }
0x2d7: {  	[hbm4b:s8+s4] =	stream.indirect_vreg.scatter [tilespmem:s22], [sflag:$0x1], $0x80, v10, vm3, $0xb8;
	[tilespmem:$0x5500] =	vst v63  }
.LBB2_19:
0x2d8: {  	[hbm4b:s9+s4] =	stream.indirect_vreg.scatter [tilespmem:s23], [sflag:$0x1], $0x80, v10, vm3, $0xb8;
	[tilespmem:$0x5500] =	vst v63  }
0x2d9: {  	p0 =	sne.s32 s1, $0x1;
	s1 =	sadd.s32 $0xFFFFFFFF, s1;
	v10 =	vld.msk [tilespmem:s3+$0x0], $0xff;
	_ =	sdelay $0x4  }
0x2da: {  	v11 =	vshll.u32 v10, $0x3  }
0x2db: {  	v10 =	vand.u32 $0x7, v10;
	v11 =	vand.u32 $0xFFFFFFC0, v11  }
0x2dc: {  	v10 =	vor.u32 v10, v11  }
0x2dd: {  	v10 =	vperm.xlane v10, v8;
	_ =	sdelay $0x1  }
0x2de: {  	v10 =	vadd.s32 v9, v10;
	_ =	sdelay $0x4  }
0x2df: {  	[hbm4b:s2+s4] =	stream.indirect_vreg.scatter [tilespmem:s20], [sflag:$0x1], $0x80, v10, vm3, $0xb8;
	[tilespmem:$0x5500] =	vst v63  }
.Ltmp17:
0x2e0: {  	(pc) =	sbr.rel @p0 .LBB2_19-.Ltmp17, $4  }
0x2e1: {  	[hbm4b:s7+s4] =	stream.indirect_vreg.scatter [tilespmem:s21], [sflag:$0x1], $0x80, v10, vm3, $0xb8;
	[tilespmem:$0x5500] =	vst v63  }
0x2e2: {  	_ = 	snop  }
0x2e3: {  	[hbm4b:s8+s4] =	stream.indirect_vreg.scatter [tilespmem:s22], [sflag:$0x1], $0x80, v10, vm3, $0xb8;
	[tilespmem:$0x5500] =	vst v63  }
0x2e4: {  	s3 =	sadd.s32 $0x8, s3  }
.LBB2_20:
0x2e5: {  	_ =	sdelay $0x3  }
0x2e6: {  	[hbm4b:s9+s4] =	stream.indirect_vreg.scatter [tilespmem:s23], [sflag:$0x1], $0x80, v10, vm3, $0xb8;
	[tilespmem:$0x5500] =	vst v63  }
.LBB2_21:
0x2e7: {  	s1 =	sadd.s32 s26, s28  }
0x2e8: {  	p0 =	slt.s32 s1, $0x1  }
.Ltmp18:
0x2e9: {  	_ = 	snop;
	(pc) =	sbr.rel @p0 .LBB2_25-.Ltmp18, $1  }
0x2ea: {  	_ =	sdelay $0x3  }
0x2eb: {  	p0 =	sne.s32 s1, $0x1  }
.Ltmp19:
0x2ec: {  	_ = 	snop;
	(pc) =	sbr.rel @!p0 .LBB2_24-.Ltmp19, $3  }
0x2ed: {  	_ =	sdelay $0x1  }
0x2ee: {  	_ =	swait.ge [sflag:s24], $0x2000  }
0x2ef: {  	s1 =	sadd.s32 $0xFFFFFFFF, s1;
	[sflag:s24] =	ssyncset.done $0x0  }
.LBB2_23:
0x2f0: {  	p0 =	sne.s32 s1, $0x1;
	s1 =	sadd.s32 $0xFFFFFFFF, s1;
	[sflag:s24] =	ssyncadd.s32 $0xFFFFE000  }
.Ltmp20:
0x2f1: {  	(pc) =	sbr.rel @p0 .LBB2_23-.Ltmp20, $3  }
0x2f2: {  	_ =	sdelay $0x1  }
0x2f3: {  	_ =	swait.ge [sflag:s24], $0x2000  }
0x2f4: {  	[sflag:s24] =	ssyncset.done $0x0  }
.Ltmp21:
0x2f5: {  	_ = 	snop;
	(pc) =	sbr.rel .LBB2_24-.Ltmp21, $1  }
0x2f6: {  	_ =	sdelay $0x3  }
.LBB2_26:
0x2f7: {  	_ =	sfence.sel $0x180000  }
0x2f8: {  	[bflag:$0x0] =	sbarrier.arrive $0xFFFF  }
0x2f9: {  	_ =	strace $0x90000047  }
0x2fa: {  	s0 =	stileid.u32;
	[bflag:$0x2] =	sbarrier.arrive $0xFFFF  }
0x2fb: {  	p0 =	sne.s32 s0, $0x0;
	s0 =	rddreg [dreg:$0x3]  }
0x2fc: {  	s0 =	sadd.s32 @!p0 $0x100000, s0  }
0x2fd: {  	[sflag:s0] =	ssyncadd.tile.s32 @!p0 $0x1;
	_ =	shalt  }
.Lfunc_end2:
_tile_overlayer_lowered:
.L_overlay_start_2:
0x2fe: {  	(tag) =	ssettag $0x2  }
0x2ff: {  	s0 =	rddreg [dreg:$0x0];
	s2 =	stileid.u32  }
0x300: {  	s1 =	rddreg [dreg:$0x1];
	p0 =	sne.s32 s2, $0x0  }
0x301: {  	s3 =	rddreg [dreg:$0x2];
	[bflag:$0x3] =	sbarrier.arrive $0xFFFF;
	s2 =	simm.s32 @!p0 $0x1C03  }
0x302: {  	[timem:s3], [sflag:s2] =	dma.local @!p0 [hbm:s0], s1  }
0x303: {  	s0 =	simm.s32 @!p0 $0x3  }
0x304: {  	_ =	swait.ge @!p0 [sflag:s0], s1  }
0x305: {  	s1 =	ssub.s32 @!p0 $0x0, s1;
	[sflag:s0] =	ssyncset.done @!p0 $0x0  }
0x306: {  	[sflag:s0] =	ssyncadd.s32 @!p0 s1  }
0x307: {  	[bflag:$0x3] =	sbarrier.arrive $0xFFFF  }
0x308: {  	_ =	shalt  }

</sc_bundles>
